<compile_context>
chip_gen: v7x
topology: tpu7x:2x2x1
jax: 0.10.2.dev20260603
libtpu: 0.0.44.dev20260713+nightly
codegen_flags: <defaults>
</compile_context>

<pallas_src>
import dataclasses

import jax
import jax.numpy as jnp
from jax import lax
from jax.experimental import pallas as pl
from jax.experimental.pallas import tpu as pltpu
from jax.experimental.pallas import tpu_sc as plsc

N = 10000
D = 128
NC = 2
NS = 16
NW = NC * NS
NPAD = 10240
ROWS_PER_SUB = NPAD // NS
CHUNK = 64
STAGE = 64
LANES = 16


def _sc_agg(x, src_p, dst_p, zrows, zdeg, n_chunks, with_deg):
    mesh = plsc.VectorSubcoreMesh(core_axis_name="c", subcore_axis_name="s")
    out_type = [jax.ShapeDtypeStruct((NC * NPAD, D), jnp.float32)]
    scratch = [
        pltpu.VMEM_SHARED((NPAD, D), jnp.float32),
        pltpu.VMEM((CHUNK,), jnp.int32),
        pltpu.VMEM((CHUNK,), jnp.int32),
        pltpu.VMEM((CHUNK, D), jnp.float32),
        pltpu.VMEM((STAGE, D), jnp.float32),
    ]
    if with_deg:
        out_type.append(jax.ShapeDtypeStruct((NW, NPAD), jnp.float32))
        scratch.append(pltpu.VMEM((NPAD,), jnp.float32))
    e_per_w = n_chunks * CHUNK

    def body(x_hbm, src_hbm, dst_hbm, zr_hbm, zd_hbm, *rest):
        if with_deg:
            agg_hbm, deg_hbm, acc, src_v, dst_v, rows_v, stage_v, dacc_v = rest
        else:
            agg_hbm, acc, src_v, dst_v, rows_v, stage_v = rest
        c = lax.axis_index("c")
        s = lax.axis_index("s")
        wid = c * NS + s
        r0 = s * ROWS_PER_SUB
        ebase = wid * e_per_w

        pltpu.sync_copy(zr_hbm, stage_v)
        if with_deg:
            pltpu.sync_copy(zd_hbm, dacc_v)

        @pl.loop(0, ROWS_PER_SUB // STAGE)
        def _(j):
            pltpu.sync_copy(stage_v, acc.at[pl.ds(r0 + j * STAGE, STAGE)])

        plsc.subcore_barrier()

        ones16 = jnp.ones((LANES,), jnp.float32)

        @pl.loop(0, n_chunks)
        def _(k):
            off = pl.multiple_of(ebase + k * CHUNK, 8)
            pltpu.sync_copy(src_hbm.at[pl.ds(off, CHUNK)], src_v)
            pltpu.sync_copy(dst_hbm.at[pl.ds(off, CHUNK)], dst_v)
            pltpu.sync_copy(x_hbm.at[src_v], rows_v)
            pltpu.sync_copy(rows_v, acc.at[dst_v], add=True)
            if with_deg:
                for g in range(CHUNK // LANES):
                    idx16 = dst_v[pl.ds(g * LANES, LANES)]
                    plsc.addupdate_scatter(dacc_v, [idx16], ones16)

        plsc.subcore_barrier()

        @pl.loop(0, ROWS_PER_SUB // STAGE)
        def _(j):
            ro = r0 + j * STAGE
            pltpu.sync_copy(acc.at[pl.ds(ro, STAGE)], stage_v)
            pltpu.sync_copy(stage_v, agg_hbm.at[pl.ds(c * NPAD + ro, STAGE)])

        if with_deg:
            pltpu.sync_copy(dacc_v, deg_hbm.at[wid])

    cp = pltpu.CompilerParams()
    if "needs_layout_passes" in pltpu.CompilerParams.__dataclass_fields__:
        cp = dataclasses.replace(cp, needs_layout_passes=False)
    k = pl.kernel(body, out_type=out_type, mesh=mesh, scratch_types=scratch,
                  compiler_params=cp)
    return k(x, src_p, dst_p, zrows, zdeg)


TC_BLK = 1000
DEGW = 32


def _tc_layer(h, agg_a, agg_b, deg_t, Ws, Wn, b, g, be, last):

    def pre_body(h_ref, aa_ref, ab_ref, dt_ref, ws_ref, wn_ref,
                 b_ref, o_ref):
        agg = aa_ref[...] + ab_ref[...]
        deg = jnp.sum(dt_ref[...], axis=1, keepdims=True)
        neigh = agg / jnp.maximum(deg, 1.0)
        o_ref[...] = (
            jnp.dot(h_ref[...], ws_ref[...],
                    preferred_element_type=jnp.float32,
                    precision=lax.Precision.HIGHEST)
            + jnp.dot(neigh, wn_ref[...],
                      preferred_element_type=jnp.float32,
                      precision=lax.Precision.HIGHEST)
            + b_ref[...]
        )

    row_blk = lambda: pl.BlockSpec((TC_BLK, D), lambda i: (i, 0))
    deg_blk = lambda: pl.BlockSpec((TC_BLK, DEGW), lambda i: (i, 0))
    full = lambda shape: pl.BlockSpec(shape, lambda i: (0, 0))
    pre = pl.pallas_call(
        pre_body,
        grid=(N // TC_BLK,),
        in_specs=[row_blk(), row_blk(), row_blk(), deg_blk(),
                  full((D, D)), full((D, D)), full((1, D))],
        out_specs=row_blk(),
        out_shape=jax.ShapeDtypeStruct((N, D), jnp.float32),
    )(h, agg_a, agg_b, deg_t, Ws, Wn, b)

    def bn_body(p_ref, g_ref, be_ref, o_ref):
        out = p_ref[...]
        mu = jnp.mean(out, axis=0, keepdims=True)
        var = jnp.mean((out - mu) ** 2, axis=0, keepdims=True)
        xn = (out - mu) * lax.rsqrt(var + 1e-5)
        out = g_ref[...] * xn + be_ref[...]
        if last:
            o_ref[...] = jax.nn.sigmoid(out)
        else:
            o_ref[...] = jnp.maximum(out, 0.0)

    return pl.pallas_call(
        bn_body, out_shape=jax.ShapeDtypeStruct((N, D), jnp.float32)
    )(pre, g, be)


def kernel(x, edge_index, W_self_0, W_neigh_0, b_0, gamma_0, beta_0,
           W_self_1, W_neigh_1, b_1, gamma_1, beta_1):
    E = edge_index.shape[1]
    src = edge_index[0].astype(jnp.int32)
    dst = edge_index[1].astype(jnp.int32)
    epad = -E % (NW * CHUNK)
    if epad:
        src = jnp.concatenate([src, jnp.zeros((epad,), jnp.int32)])
        dst = jnp.concatenate(
            [dst, N + (jnp.arange(epad, dtype=jnp.int32) % (NPAD - N))])
    n_chunks = (E + epad) // (NW * CHUNK)

    zrows = jnp.zeros((STAGE, D), jnp.float32)
    zdeg = jnp.zeros((NPAD,), jnp.float32)

    aggp1, degp = _sc_agg(x, src, dst, zrows, zdeg, n_chunks, True)
    agg1_a = lax.slice(aggp1, (0, 0), (N, D))
    agg1_b = lax.slice(aggp1, (NPAD, 0), (NPAD + N, D))
    deg_t = lax.slice(jnp.transpose(degp), (0, 0), (N, NW))

    h1 = _tc_layer(x, agg1_a, agg1_b, deg_t,
                   W_self_0, W_neigh_0, b_0.reshape(1, D),
                   gamma_0.reshape(1, D), beta_0.reshape(1, D), False)

    (aggp2,) = _sc_agg(h1, src, dst, zrows, zdeg, n_chunks, False)
    agg2_a = lax.slice(aggp2, (0, 0), (N, D))
    agg2_b = lax.slice(aggp2, (NPAD, 0), (NPAD + N, D))

    return _tc_layer(h1, agg2_a, agg2_b, deg_t,
                     W_self_1, W_neigh_1, b_1.reshape(1, D),
                     gamma_1.reshape(1, D), beta_1.reshape(1, D), True)

# --- scband reference (transcript-rebuilt; emitter-appended) ---
"""Pipeline reference for scband-sage-my-78365973283346 (READ-ONLY COPY).

The authoritative reference and input builder live on the scoring server;
editing this copy changes nothing except your own understanding.
"""

import jax, jax.numpy as jnp
import numpy as np

N = 10000
E = 320000
DIMS = [128, 128, 128]


def setup_inputs(seed: int = 0) -> dict:
    key = jax.random.key(seed)
    ks = jax.random.split(key, 16)
    inp = {}
    inp["x"] = jax.random.normal(ks[0], (N, DIMS[0]), dtype=jnp.float32)
    ei = jax.random.randint(ks[1], (2, E), 0, N, dtype=jnp.int32)
    inp["edge_index"] = ei.astype(jnp.int64)
    k = 2
    for i, (in_d, out_d) in enumerate(zip(DIMS[:-1], DIMS[1:])):
        s = 1.0 / np.sqrt(in_d)
        inp[f"W_self_{i}"] = jax.random.uniform(ks[k], (in_d, out_d), jnp.float32, -s, s); k += 1
        inp[f"W_neigh_{i}"] = jax.random.uniform(ks[k], (in_d, out_d), jnp.float32, -s, s); k += 1
        inp[f"b_{i}"] = jnp.zeros((out_d,), jnp.float32)
        inp[f"gamma_{i}"] = jnp.ones((out_d,), jnp.float32)
        inp[f"beta_{i}"] = jnp.zeros((out_d,), jnp.float32)
    return inp


def _sage_forward(x, src, dst, params):
    # DGL SAGEConv('mean'): rst = h_self @ W_self + mean_agg(h_src) @ W_neigh + bias
    # then BatchNorm1d (training mode, biased var, eps=1e-5), then relu (hidden) / sigmoid (last)
    h = x
    nlayers = len(params)
    ones_e = jnp.ones((src.shape[0],), jnp.float32)
    for i, (Ws, Wn, b, g, be) in enumerate(params):
        msg = h[src]                                             # gather (SparseCore)
        agg = jax.ops.segment_sum(msg, dst, num_segments=N)      # scatter-add
        deg = jax.ops.segment_sum(ones_e, dst, num_segments=N)
        neigh = agg / jnp.clip(deg, 1.0, None)[:, None]          # mean aggregation
        out = h @ Ws + neigh @ Wn + b
        mu = jnp.mean(out, axis=0)
        var = jnp.mean((out - mu) ** 2, axis=0)
        out = g * (out - mu) / jnp.sqrt(var + 1e-5) + be
        if i != nlayers - 1:
            h = jax.nn.relu(out)
        else:
            h = jax.nn.sigmoid(out)
    return h


def reference(x, edge_index, W_self_0, W_neigh_0, b_0, gamma_0, beta_0, W_self_1, W_neigh_1, b_1, gamma_1, beta_1):
    src = edge_index[0]
    dst = edge_index[1]
    params = [
        (W_self_0, W_neigh_0, b_0, gamma_0, beta_0),
        (W_self_1, W_neigh_1, b_1, gamma_1, beta_1),
    ]
    return _sage_forward(x, src, dst, params)

if __name__ == "__main__":
    import jax
    _d = setup_inputs()
    print(jax.jit(kernel)(*tuple(_d.values())))

</pallas_src>

<mosaic_0001>
#map = affine_map<(d0, d1) -> (0, 0)>
#map1 = affine_map<(d0, d1) -> (0)>
module attributes {stable_mosaic.version = 14 : i64} {
  func.func @body(%arg0: i32, %arg1: i32, %arg2: memref<10000x128xf32, #tpu.memory_space<hbm>>, %arg3: memref<321536xi32, #tpu.memory_space<hbm>>, %arg4: memref<321536xi32, #tpu.memory_space<hbm>>, %arg5: memref<64x128xf32, #tpu.memory_space<hbm>>, %arg6: memref<10240xf32, #tpu.memory_space<hbm>>, %arg7: memref<20480x128xf32, #tpu.memory_space<hbm>>, %arg8: memref<32x10240xf32, #tpu.memory_space<hbm>>, %arg9: memref<10240x128xf32, #tpu.memory_space<vmem_shared>>, %arg10: memref<64xi32, #tpu.memory_space<vmem>>, %arg11: memref<64xi32, #tpu.memory_space<vmem>>, %arg12: memref<64x128xf32, #tpu.memory_space<vmem>>, %arg13: memref<64x128xf32, #tpu.memory_space<vmem>>, %arg14: memref<10240xf32, #tpu.memory_space<vmem>>) attributes {dimension_semantics = [#tpu.dimension_semantics<core_parallel>, #tpu.dimension_semantics<subcore_parallel>], iteration_bounds = array<i64: 2, 16>, scalar_prefetch = 0 : i64, scratch_operands = 6 : i64, tpu.core_type = #tpu.core_type<sc_vector_subcore>, window_params = [{transform_indices = #map}, {transform_indices = #map1}, {transform_indices = #map1}, {transform_indices = #map}, {transform_indices = #map1}, {transform_indices = #map}, {transform_indices = #map}]} {
    %mul3A = arith.constant 16 : i32
    %mul3A_0 = arith.muli %arg0, %mul3A : i32
    %add3A = arith.addi %mul3A_0, %arg1 : i32
    %mul3A_1 = arith.constant 640 : i32
    %mul3A_2 = arith.muli %arg1, %mul3A_1 : i32
    %mul3A_3 = arith.constant 10048 : i32
    %mul3A_4 = arith.muli %add3A, %mul3A_3 : i32
    "tpu.region"() ({
      %run_scoped3A = tpu.sem_alloc : memref<!tpu.dma_semaphore, #tpu.memory_space<semaphore_mem>>
      tpu.enqueue_dma source(%arg5 : memref<64x128xf32, #tpu.memory_space<hbm>>) target(%arg13 : memref<64x128xf32, #tpu.memory_space<vmem>>) target_semaphore(%run_scoped3A : memref<!tpu.dma_semaphore, #tpu.memory_space<semaphore_mem>>)
      tpu.wait_dma2 semaphore(%run_scoped3A : memref<!tpu.dma_semaphore, #tpu.memory_space<semaphore_mem>>) src(%arg5 : memref<64x128xf32, #tpu.memory_space<hbm>>) dst(%arg13 : memref<64x128xf32, #tpu.memory_space<vmem>>)
      tpu.yield
    }) : () -> ()
    "tpu.region"() ({
      %run_scoped3A = tpu.sem_alloc : memref<!tpu.dma_semaphore, #tpu.memory_space<semaphore_mem>>
      tpu.enqueue_dma source(%arg6 : memref<10240xf32, #tpu.memory_space<hbm>>) target(%arg14 : memref<10240xf32, #tpu.memory_space<vmem>>) target_semaphore(%run_scoped3A : memref<!tpu.dma_semaphore, #tpu.memory_space<semaphore_mem>>)
      tpu.wait_dma2 semaphore(%run_scoped3A : memref<!tpu.dma_semaphore, #tpu.memory_space<semaphore_mem>>) src(%arg6 : memref<10240xf32, #tpu.memory_space<hbm>>) dst(%arg14 : memref<10240xf32, #tpu.memory_space<vmem>>)
      tpu.yield
    }) : () -> ()
    %scan3A = arith.constant 0 : i32
    %scan3A_5 = arith.constant 10 : i32
    %scan3A_6 = arith.addi %scan3A, %scan3A_5 : i32
    %scan3A_7 = arith.constant 1 : i32
    scf.for %scan3A_21 = %scan3A to %scan3A_6 step %scan3A_7  : i32 {
      %mul3A_22 = arith.constant 1 : i32
      %mul3A_23 = arith.muli %scan3A_21, %mul3A_22 : i32
      %add3A_24 = arith.constant 0 : i32
      %add3A_25 = arith.addi %add3A_24, %mul3A_23 : i32
      %mul3A_26 = arith.constant 64 : i32
      %mul3A_27 = arith.muli %add3A_25, %mul3A_26 : i32
      %add3A_28 = arith.addi %mul3A_2, %mul3A_27 : i32
      "tpu.region"() ({
        %run_scoped3A = tpu.sem_alloc : memref<!tpu.dma_semaphore, #tpu.memory_space<semaphore_mem>>
        %dma_start3A = arith.constant 0 : i32
        %dma_start3A_29 = tpu.memref_slice %arg9[%add3A_28, %dma_start3A] : memref<10240x128xf32, #tpu.memory_space<vmem_shared>> -> memref<64x128xf32, #tpu.memory_space<vmem_shared>>
        %dma_start3A_30 = arith.constant 0 : i32
        %dma_start3A_31 = tpu.memref_slice %arg9[%add3A_28, %dma_start3A_30] : memref<10240x128xf32, #tpu.memory_space<vmem_shared>> -> memref<64x128xf32, #tpu.memory_space<vmem_shared>>
        tpu.enqueue_dma source(%arg13 : memref<64x128xf32, #tpu.memory_space<vmem>>) target(%dma_start3A_31 : memref<64x128xf32, #tpu.memory_space<vmem_shared>>) target_semaphore(%run_scoped3A : memref<!tpu.dma_semaphore, #tpu.memory_space<semaphore_mem>>)
        %dma_wait3A = arith.constant 0 : i32
        %dma_wait3A_32 = tpu.memref_slice %arg9[%add3A_28, %dma_wait3A] : memref<10240x128xf32, #tpu.memory_space<vmem_shared>> -> memref<64x128xf32, #tpu.memory_space<vmem_shared>>
        %dma_wait3A_33 = arith.constant 0 : i32
        %dma_wait3A_34 = tpu.memref_slice %arg9[%add3A_28, %dma_wait3A_33] : memref<10240x128xf32, #tpu.memory_space<vmem_shared>> -> memref<64x128xf32, #tpu.memory_space<vmem_shared>>
        tpu.wait_dma2 semaphore(%run_scoped3A : memref<!tpu.dma_semaphore, #tpu.memory_space<semaphore_mem>>) src(%arg13 : memref<64x128xf32, #tpu.memory_space<vmem>>) dst(%dma_wait3A_34 : memref<64x128xf32, #tpu.memory_space<vmem_shared>>)
        tpu.yield
      }) : () -> ()
    }
    %scan3A_8 = arith.constant 10 : i32
    %barrier3A = arith.constant 0 : index
    tpu.barrier barrier_id(%barrier3A)
    %broadcast_in_dim3A = arith.constant 1.000000e+00 : f32
    %broadcast_in_dim3A_9 = vector.broadcast %broadcast_in_dim3A : f32 to vector<16xf32>
    %scan3A_10 = arith.constant 0 : i32
    %scan3A_11 = arith.constant 157 : i32
    %scan3A_12 = arith.addi %scan3A_10, %scan3A_11 : i32
    %scan3A_13 = arith.constant 1 : i32
    scf.for %scan3A_21 = %scan3A_10 to %scan3A_12 step %scan3A_13  : i32 {
      %mul3A_22 = arith.constant 1 : i32
      %mul3A_23 = arith.muli %scan3A_21, %mul3A_22 : i32
      %add3A_24 = arith.constant 0 : i32
      %add3A_25 = arith.addi %add3A_24, %mul3A_23 : i32
      %mul3A_26 = arith.constant 64 : i32
      %mul3A_27 = arith.muli %add3A_25, %mul3A_26 : i32
      %add3A_28 = arith.addi %mul3A_4, %mul3A_27 : i32
      %multiple_of3A = tpu.assume_multiple %add3A_28, 8 : i32
      "tpu.region"() ({
        %run_scoped3A = tpu.sem_alloc : memref<!tpu.dma_semaphore, #tpu.memory_space<semaphore_mem>>
        %dma_start3A = tpu.memref_slice %arg3[%multiple_of3A] : memref<321536xi32, #tpu.memory_space<hbm>> -> memref<64xi32, #tpu.memory_space<hbm>>
        %dma_start3A_36 = tpu.memref_slice %arg3[%multiple_of3A] : memref<321536xi32, #tpu.memory_space<hbm>> -> memref<64xi32, #tpu.memory_space<hbm>>
        tpu.enqueue_dma source(%dma_start3A_36 : memref<64xi32, #tpu.memory_space<hbm>>) target(%arg10 : memref<64xi32, #tpu.memory_space<vmem>>) target_semaphore(%run_scoped3A : memref<!tpu.dma_semaphore, #tpu.memory_space<semaphore_mem>>)
        %dma_wait3A = tpu.memref_slice %arg3[%multiple_of3A] : memref<321536xi32, #tpu.memory_space<hbm>> -> memref<64xi32, #tpu.memory_space<hbm>>
        %dma_wait3A_37 = tpu.memref_slice %arg3[%multiple_of3A] : memref<321536xi32, #tpu.memory_space<hbm>> -> memref<64xi32, #tpu.memory_space<hbm>>
        tpu.wait_dma2 semaphore(%run_scoped3A : memref<!tpu.dma_semaphore, #tpu.memory_space<semaphore_mem>>) src(%dma_wait3A_37 : memref<64xi32, #tpu.memory_space<hbm>>) dst(%arg10 : memref<64xi32, #tpu.memory_space<vmem>>)
        tpu.yield
      }) : () -> ()
      "tpu.region"() ({
        %run_scoped3A = tpu.sem_alloc : memref<!tpu.dma_semaphore, #tpu.memory_space<semaphore_mem>>
        %dma_start3A = tpu.memref_slice %arg4[%multiple_of3A] : memref<321536xi32, #tpu.memory_space<hbm>> -> memref<64xi32, #tpu.memory_space<hbm>>
        %dma_start3A_36 = tpu.memref_slice %arg4[%multiple_of3A] : memref<321536xi32, #tpu.memory_space<hbm>> -> memref<64xi32, #tpu.memory_space<hbm>>
        tpu.enqueue_dma source(%dma_start3A_36 : memref<64xi32, #tpu.memory_space<hbm>>) target(%arg11 : memref<64xi32, #tpu.memory_space<vmem>>) target_semaphore(%run_scoped3A : memref<!tpu.dma_semaphore, #tpu.memory_space<semaphore_mem>>)
        %dma_wait3A = tpu.memref_slice %arg4[%multiple_of3A] : memref<321536xi32, #tpu.memory_space<hbm>> -> memref<64xi32, #tpu.memory_space<hbm>>
        %dma_wait3A_37 = tpu.memref_slice %arg4[%multiple_of3A] : memref<321536xi32, #tpu.memory_space<hbm>> -> memref<64xi32, #tpu.memory_space<hbm>>
        tpu.wait_dma2 semaphore(%run_scoped3A : memref<!tpu.dma_semaphore, #tpu.memory_space<semaphore_mem>>) src(%dma_wait3A_37 : memref<64xi32, #tpu.memory_space<hbm>>) dst(%arg11 : memref<64xi32, #tpu.memory_space<vmem>>)
        tpu.yield
      }) : () -> ()
      "tpu.region"() ({
        %run_scoped3A = tpu.sem_alloc : memref<!tpu.dma_semaphore, #tpu.memory_space<semaphore_mem>>
        %dma_start3A = arith.constant 0 : i32
        %dma_start3A_36 = arith.constant 0 : i32
        %dma_start3A_37 = tpu.memref_slice %arg2[%dma_start3A, %dma_start3A_36] : memref<10000x128xf32, #tpu.memory_space<hbm>> -> memref<10000x128xf32, #tpu.memory_space<hbm>>
        tpu.enqueue_indirect_dma source(%dma_start3A_37 : memref<10000x128xf32, #tpu.memory_space<hbm>>) target(%arg12 : memref<64x128xf32, #tpu.memory_space<vmem>>) offsets(%arg10 : memref<64xi32, #tpu.memory_space<vmem>>) semaphore(%run_scoped3A : memref<!tpu.dma_semaphore, #tpu.memory_space<semaphore_mem>>)
        %dma_wait3A = arith.constant 0 : i32
        %dma_wait3A_38 = arith.constant 0 : i32
        %dma_wait3A_39 = tpu.memref_slice %arg2[%dma_wait3A, %dma_wait3A_38] : memref<10000x128xf32, #tpu.memory_space<hbm>> -> memref<10000x128xf32, #tpu.memory_space<hbm>>
        tpu.wait_indirect_dma semaphore(%run_scoped3A : memref<!tpu.dma_semaphore, #tpu.memory_space<semaphore_mem>>) src(%dma_wait3A_39 : memref<10000x128xf32, #tpu.memory_space<hbm>>) dst(%arg12 : memref<64x128xf32, #tpu.memory_space<vmem>>)
        tpu.yield
      }) : () -> ()
      "tpu.region"() ({
        %run_scoped3A = tpu.sem_alloc : memref<!tpu.dma_semaphore, #tpu.memory_space<semaphore_mem>>
        %dma_start3A = arith.constant 0 : i32
        %dma_start3A_36 = arith.constant 0 : i32
        %dma_start3A_37 = tpu.memref_slice %arg9[%dma_start3A, %dma_start3A_36] : memref<10240x128xf32, #tpu.memory_space<vmem_shared>> -> memref<10240x128xf32, #tpu.memory_space<vmem_shared>>
        tpu.enqueue_indirect_dma source(%arg12 : memref<64x128xf32, #tpu.memory_space<vmem>>) target(%dma_start3A_37 : memref<10240x128xf32, #tpu.memory_space<vmem_shared>>) offsets(%arg11 : memref<64xi32, #tpu.memory_space<vmem>>) semaphore(%run_scoped3A : memref<!tpu.dma_semaphore, #tpu.memory_space<semaphore_mem>>) {add = true}
        %dma_wait3A = arith.constant 0 : i32
        %dma_wait3A_38 = arith.constant 0 : i32
        %dma_wait3A_39 = tpu.memref_slice %arg9[%dma_wait3A, %dma_wait3A_38] : memref<10240x128xf32, #tpu.memory_space<vmem_shared>> -> memref<10240x128xf32, #tpu.memory_space<vmem_shared>>
        tpu.wait_indirect_dma semaphore(%run_scoped3A : memref<!tpu.dma_semaphore, #tpu.memory_space<semaphore_mem>>) src(%arg12 : memref<64x128xf32, #tpu.memory_space<vmem>>) dst(%dma_wait3A_39 : memref<10240x128xf32, #tpu.memory_space<vmem_shared>>)
        tpu.yield
      }) : () -> ()
      %get3A = arith.constant 0 : index
      %get3A_29 = tpu.vector_load %arg11[%get3A] {strides = array<i32>} : memref<64xi32, #tpu.memory_space<vmem>>, vector<16xi32>,
      tpu.vector_store_idx %arg14[%get3A_29], %broadcast_in_dim3A_9 {add = true} : memref<10240xf32, #tpu.memory_space<vmem>>[vector<16xi32>], vector<16xf32>,
      %get3A_30 = arith.constant 16 : index
      %get3A_31 = tpu.vector_load %arg11[%get3A_30] {strides = array<i32>} : memref<64xi32, #tpu.memory_space<vmem>>, vector<16xi32>,
      tpu.vector_store_idx %arg14[%get3A_31], %broadcast_in_dim3A_9 {add = true} : memref<10240xf32, #tpu.memory_space<vmem>>[vector<16xi32>], vector<16xf32>,
      %get3A_32 = arith.constant 32 : index
      %get3A_33 = tpu.vector_load %arg11[%get3A_32] {strides = array<i32>} : memref<64xi32, #tpu.memory_space<vmem>>, vector<16xi32>,
      tpu.vector_store_idx %arg14[%get3A_33], %broadcast_in_dim3A_9 {add = true} : memref<10240xf32, #tpu.memory_space<vmem>>[vector<16xi32>], vector<16xf32>,
      %get3A_34 = arith.constant 48 : index
      %get3A_35 = tpu.vector_load %arg11[%get3A_34] {strides = array<i32>} : memref<64xi32, #tpu.memory_space<vmem>>, vector<16xi32>,
      tpu.vector_store_idx %arg14[%get3A_35], %broadcast_in_dim3A_9 {add = true} : memref<10240xf32, #tpu.memory_space<vmem>>[vector<16xi32>], vector<16xf32>,
    }
    %scan3A_14 = arith.constant 157 : i32
    %barrier3A_15 = arith.constant 0 : index
    tpu.barrier barrier_id(%barrier3A_15)
    %scan3A_16 = arith.constant 0 : i32
    %scan3A_17 = arith.constant 10 : i32
    %scan3A_18 = arith.addi %scan3A_16, %scan3A_17 : i32
    %scan3A_19 = arith.constant 1 : i32
    scf.for %scan3A_21 = %scan3A_16 to %scan3A_18 step %scan3A_19  : i32 {
      %mul3A_22 = arith.constant 1 : i32
      %mul3A_23 = arith.muli %scan3A_21, %mul3A_22 : i32
      %add3A_24 = arith.constant 0 : i32
      %add3A_25 = arith.addi %add3A_24, %mul3A_23 : i32
      %mul3A_26 = arith.constant 64 : i32
      %mul3A_27 = arith.muli %add3A_25, %mul3A_26 : i32
      %add3A_28 = arith.addi %mul3A_2, %mul3A_27 : i32
      "tpu.region"() ({
        %run_scoped3A = tpu.sem_alloc : memref<!tpu.dma_semaphore, #tpu.memory_space<semaphore_mem>>
        %dma_start3A = arith.constant 0 : i32
        %dma_start3A_32 = tpu.memref_slice %arg9[%add3A_28, %dma_start3A] : memref<10240x128xf32, #tpu.memory_space<vmem_shared>> -> memref<64x128xf32, #tpu.memory_space<vmem_shared>>
        %dma_start3A_33 = arith.constant 0 : i32
        %dma_start3A_34 = tpu.memref_slice %arg9[%add3A_28, %dma_start3A_33] : memref<10240x128xf32, #tpu.memory_space<vmem_shared>> -> memref<64x128xf32, #tpu.memory_space<vmem_shared>>
        tpu.enqueue_dma source(%dma_start3A_34 : memref<64x128xf32, #tpu.memory_space<vmem_shared>>) target(%arg13 : memref<64x128xf32, #tpu.memory_space<vmem>>) target_semaphore(%run_scoped3A : memref<!tpu.dma_semaphore, #tpu.memory_space<semaphore_mem>>)
        %dma_wait3A = arith.constant 0 : i32
        %dma_wait3A_35 = tpu.memref_slice %arg9[%add3A_28, %dma_wait3A] : memref<10240x128xf32, #tpu.memory_space<vmem_shared>> -> memref<64x128xf32, #tpu.memory_space<vmem_shared>>
        %dma_wait3A_36 = arith.constant 0 : i32
        %dma_wait3A_37 = tpu.memref_slice %arg9[%add3A_28, %dma_wait3A_36] : memref<10240x128xf32, #tpu.memory_space<vmem_shared>> -> memref<64x128xf32, #tpu.memory_space<vmem_shared>>
        tpu.wait_dma2 semaphore(%run_scoped3A : memref<!tpu.dma_semaphore, #tpu.memory_space<semaphore_mem>>) src(%dma_wait3A_37 : memref<64x128xf32, #tpu.memory_space<vmem_shared>>) dst(%arg13 : memref<64x128xf32, #tpu.memory_space<vmem>>)
        tpu.yield
      }) : () -> ()
      %mul3A_29 = arith.constant 10240 : i32
      %mul3A_30 = arith.muli %arg0, %mul3A_29 : i32
      %add3A_31 = arith.addi %mul3A_30, %add3A_28 : i32
      "tpu.region"() ({
        %run_scoped3A = tpu.sem_alloc : memref<!tpu.dma_semaphore, #tpu.memory_space<semaphore_mem>>
        %dma_start3A = arith.constant 0 : i32
        %dma_start3A_32 = tpu.memref_slice %arg7[%add3A_31, %dma_start3A] : memref<20480x128xf32, #tpu.memory_space<hbm>> -> memref<64x128xf32, #tpu.memory_space<hbm>>
        %dma_start3A_33 = arith.constant 0 : i32
        %dma_start3A_34 = tpu.memref_slice %arg7[%add3A_31, %dma_start3A_33] : memref<20480x128xf32, #tpu.memory_space<hbm>> -> memref<64x128xf32, #tpu.memory_space<hbm>>
        tpu.enqueue_dma source(%arg13 : memref<64x128xf32, #tpu.memory_space<vmem>>) target(%dma_start3A_34 : memref<64x128xf32, #tpu.memory_space<hbm>>) target_semaphore(%run_scoped3A : memref<!tpu.dma_semaphore, #tpu.memory_space<semaphore_mem>>)
        %dma_wait3A = arith.constant 0 : i32
        %dma_wait3A_35 = tpu.memref_slice %arg7[%add3A_31, %dma_wait3A] : memref<20480x128xf32, #tpu.memory_space<hbm>> -> memref<64x128xf32, #tpu.memory_space<hbm>>
        %dma_wait3A_36 = arith.constant 0 : i32
        %dma_wait3A_37 = tpu.memref_slice %arg7[%add3A_31, %dma_wait3A_36] : memref<20480x128xf32, #tpu.memory_space<hbm>> -> memref<64x128xf32, #tpu.memory_space<hbm>>
        tpu.wait_dma2 semaphore(%run_scoped3A : memref<!tpu.dma_semaphore, #tpu.memory_space<semaphore_mem>>) src(%arg13 : memref<64x128xf32, #tpu.memory_space<vmem>>) dst(%dma_wait3A_37 : memref<64x128xf32, #tpu.memory_space<hbm>>)
        tpu.yield
      }) : () -> ()
    }
    %scan3A_20 = arith.constant 10 : i32
    "tpu.region"() ({
      %run_scoped3A = tpu.sem_alloc : memref<!tpu.dma_semaphore, #tpu.memory_space<semaphore_mem>>
      %dma_start3A = arith.constant 0 : i32
      %dma_start3A_21 = tpu.memref_slice %arg8[%add3A, %dma_start3A] : memref<32x10240xf32, #tpu.memory_space<hbm>> -> memref<1x10240xf32, #tpu.memory_space<hbm>>
      %dma_start3A_22 = tpu.memref_squeeze %dma_start3A_21 : memref<1x10240xf32, #tpu.memory_space<hbm>> -> memref<10240xf32, #tpu.memory_space<hbm>>
      %dma_start3A_23 = arith.constant 0 : i32
      %dma_start3A_24 = tpu.memref_slice %arg8[%add3A, %dma_start3A_23] : memref<32x10240xf32, #tpu.memory_space<hbm>> -> memref<1x10240xf32, #tpu.memory_space<hbm>>
      %dma_start3A_25 = tpu.memref_squeeze %dma_start3A_24 : memref<1x10240xf32, #tpu.memory_space<hbm>> -> memref<10240xf32, #tpu.memory_space<hbm>>
      tpu.enqueue_dma source(%arg14 : memref<10240xf32, #tpu.memory_space<vmem>>) target(%dma_start3A_25 : memref<10240xf32, #tpu.memory_space<hbm>>) target_semaphore(%run_scoped3A : memref<!tpu.dma_semaphore, #tpu.memory_space<semaphore_mem>>)
      %dma_wait3A = arith.constant 0 : i32
      %dma_wait3A_26 = tpu.memref_slice %arg8[%add3A, %dma_wait3A] : memref<32x10240xf32, #tpu.memory_space<hbm>> -> memref<1x10240xf32, #tpu.memory_space<hbm>>
      %dma_wait3A_27 = tpu.memref_squeeze %dma_wait3A_26 : memref<1x10240xf32, #tpu.memory_space<hbm>> -> memref<10240xf32, #tpu.memory_space<hbm>>
      %dma_wait3A_28 = arith.constant 0 : i32
      %dma_wait3A_29 = tpu.memref_slice %arg8[%add3A, %dma_wait3A_28] : memref<32x10240xf32, #tpu.memory_space<hbm>> -> memref<1x10240xf32, #tpu.memory_space<hbm>>
      %dma_wait3A_30 = tpu.memref_squeeze %dma_wait3A_29 : memref<1x10240xf32, #tpu.memory_space<hbm>> -> memref<10240xf32, #tpu.memory_space<hbm>>
      tpu.wait_dma2 semaphore(%run_scoped3A : memref<!tpu.dma_semaphore, #tpu.memory_space<semaphore_mem>>) src(%arg14 : memref<10240xf32, #tpu.memory_space<vmem>>) dst(%dma_wait3A_30 : memref<10240xf32, #tpu.memory_space<hbm>>)
      tpu.yield
    }) : () -> ()
    return
  }
}

#map = affine_map<(d0, d1) -> (0, 0)>
#map1 = affine_map<(d0, d1) -> (0)>
module attributes {stable_mosaic.version = 14 : i64} {
  func.func @body(%arg0: i32, %arg1: i32, %arg2: memref<10000x128xf32, #tpu.memory_space<hbm>>, %arg3: memref<321536xi32, #tpu.memory_space<hbm>>, %arg4: memref<321536xi32, #tpu.memory_space<hbm>>, %arg5: memref<64x128xf32, #tpu.memory_space<hbm>>, %arg6: memref<10240xf32, #tpu.memory_space<hbm>>, %arg7: memref<20480x128xf32, #tpu.memory_space<hbm>>, %arg8: memref<10240x128xf32, #tpu.memory_space<vmem_shared>>, %arg9: memref<64xi32, #tpu.memory_space<vmem>>, %arg10: memref<64xi32, #tpu.memory_space<vmem>>, %arg11: memref<64x128xf32, #tpu.memory_space<vmem>>, %arg12: memref<64x128xf32, #tpu.memory_space<vmem>>) attributes {dimension_semantics = [#tpu.dimension_semantics<core_parallel>, #tpu.dimension_semantics<subcore_parallel>], iteration_bounds = array<i64: 2, 16>, scalar_prefetch = 0 : i64, scratch_operands = 5 : i64, tpu.core_type = #tpu.core_type<sc_vector_subcore>, window_params = [{transform_indices = #map}, {transform_indices = #map1}, {transform_indices = #map1}, {transform_indices = #map}, {transform_indices = #map1}, {transform_indices = #map}]} {
    %mul3A = arith.constant 16 : i32
    %mul3A_0 = arith.muli %arg0, %mul3A : i32
    %add3A = arith.addi %mul3A_0, %arg1 : i32
    %mul3A_1 = arith.constant 640 : i32
    %mul3A_2 = arith.muli %arg1, %mul3A_1 : i32
    %mul3A_3 = arith.constant 10048 : i32
    %mul3A_4 = arith.muli %add3A, %mul3A_3 : i32
    "tpu.region"() ({
      %run_scoped3A = tpu.sem_alloc : memref<!tpu.dma_semaphore, #tpu.memory_space<semaphore_mem>>
      tpu.enqueue_dma source(%arg5 : memref<64x128xf32, #tpu.memory_space<hbm>>) target(%arg12 : memref<64x128xf32, #tpu.memory_space<vmem>>) target_semaphore(%run_scoped3A : memref<!tpu.dma_semaphore, #tpu.memory_space<semaphore_mem>>)
      tpu.wait_dma2 semaphore(%run_scoped3A : memref<!tpu.dma_semaphore, #tpu.memory_space<semaphore_mem>>) src(%arg5 : memref<64x128xf32, #tpu.memory_space<hbm>>) dst(%arg12 : memref<64x128xf32, #tpu.memory_space<vmem>>)
      tpu.yield
    }) : () -> ()
    %scan3A = arith.constant 0 : i32
    %scan3A_5 = arith.constant 10 : i32
    %scan3A_6 = arith.addi %scan3A, %scan3A_5 : i32
    %scan3A_7 = arith.constant 1 : i32
    scf.for %scan3A_21 = %scan3A to %scan3A_6 step %scan3A_7  : i32 {
      %mul3A_22 = arith.constant 1 : i32
      %mul3A_23 = arith.muli %scan3A_21, %mul3A_22 : i32
      %add3A_24 = arith.constant 0 : i32
      %add3A_25 = arith.addi %add3A_24, %mul3A_23 : i32
      %mul3A_26 = arith.constant 64 : i32
      %mul3A_27 = arith.muli %add3A_25, %mul3A_26 : i32
      %add3A_28 = arith.addi %mul3A_2, %mul3A_27 : i32
      "tpu.region"() ({
        %run_scoped3A = tpu.sem_alloc : memref<!tpu.dma_semaphore, #tpu.memory_space<semaphore_mem>>
        %dma_start3A = arith.constant 0 : i32
        %dma_start3A_29 = tpu.memref_slice %arg8[%add3A_28, %dma_start3A] : memref<10240x128xf32, #tpu.memory_space<vmem_shared>> -> memref<64x128xf32, #tpu.memory_space<vmem_shared>>
        %dma_start3A_30 = arith.constant 0 : i32
        %dma_start3A_31 = tpu.memref_slice %arg8[%add3A_28, %dma_start3A_30] : memref<10240x128xf32, #tpu.memory_space<vmem_shared>> -> memref<64x128xf32, #tpu.memory_space<vmem_shared>>
        tpu.enqueue_dma source(%arg12 : memref<64x128xf32, #tpu.memory_space<vmem>>) target(%dma_start3A_31 : memref<64x128xf32, #tpu.memory_space<vmem_shared>>) target_semaphore(%run_scoped3A : memref<!tpu.dma_semaphore, #tpu.memory_space<semaphore_mem>>)
        %dma_wait3A = arith.constant 0 : i32
        %dma_wait3A_32 = tpu.memref_slice %arg8[%add3A_28, %dma_wait3A] : memref<10240x128xf32, #tpu.memory_space<vmem_shared>> -> memref<64x128xf32, #tpu.memory_space<vmem_shared>>
        %dma_wait3A_33 = arith.constant 0 : i32
        %dma_wait3A_34 = tpu.memref_slice %arg8[%add3A_28, %dma_wait3A_33] : memref<10240x128xf32, #tpu.memory_space<vmem_shared>> -> memref<64x128xf32, #tpu.memory_space<vmem_shared>>
        tpu.wait_dma2 semaphore(%run_scoped3A : memref<!tpu.dma_semaphore, #tpu.memory_space<semaphore_mem>>) src(%arg12 : memref<64x128xf32, #tpu.memory_space<vmem>>) dst(%dma_wait3A_34 : memref<64x128xf32, #tpu.memory_space<vmem_shared>>)
        tpu.yield
      }) : () -> ()
    }
    %scan3A_8 = arith.constant 10 : i32
    %barrier3A = arith.constant 0 : index
    tpu.barrier barrier_id(%barrier3A)
    %broadcast_in_dim3A = arith.constant 1.000000e+00 : f32
    %broadcast_in_dim3A_9 = vector.broadcast %broadcast_in_dim3A : f32 to vector<16xf32>
    %scan3A_10 = arith.constant 0 : i32
    %scan3A_11 = arith.constant 157 : i32
    %scan3A_12 = arith.addi %scan3A_10, %scan3A_11 : i32
    %scan3A_13 = arith.constant 1 : i32
    scf.for %scan3A_21 = %scan3A_10 to %scan3A_12 step %scan3A_13  : i32 {
      %mul3A_22 = arith.constant 1 : i32
      %mul3A_23 = arith.muli %scan3A_21, %mul3A_22 : i32
      %add3A_24 = arith.constant 0 : i32
      %add3A_25 = arith.addi %add3A_24, %mul3A_23 : i32
      %mul3A_26 = arith.constant 64 : i32
      %mul3A_27 = arith.muli %add3A_25, %mul3A_26 : i32
      %add3A_28 = arith.addi %mul3A_4, %mul3A_27 : i32
      %multiple_of3A = tpu.assume_multiple %add3A_28, 8 : i32
      "tpu.region"() ({
        %run_scoped3A = tpu.sem_alloc : memref<!tpu.dma_semaphore, #tpu.memory_space<semaphore_mem>>
        %dma_start3A = tpu.memref_slice %arg3[%multiple_of3A] : memref<321536xi32, #tpu.memory_space<hbm>> -> memref<64xi32, #tpu.memory_space<hbm>>
        %dma_start3A_29 = tpu.memref_slice %arg3[%multiple_of3A] : memref<321536xi32, #tpu.memory_space<hbm>> -> memref<64xi32, #tpu.memory_space<hbm>>
        tpu.enqueue_dma source(%dma_start3A_29 : memref<64xi32, #tpu.memory_space<hbm>>) target(%arg9 : memref<64xi32, #tpu.memory_space<vmem>>) target_semaphore(%run_scoped3A : memref<!tpu.dma_semaphore, #tpu.memory_space<semaphore_mem>>)
        %dma_wait3A = tpu.memref_slice %arg3[%multiple_of3A] : memref<321536xi32, #tpu.memory_space<hbm>> -> memref<64xi32, #tpu.memory_space<hbm>>
        %dma_wait3A_30 = tpu.memref_slice %arg3[%multiple_of3A] : memref<321536xi32, #tpu.memory_space<hbm>> -> memref<64xi32, #tpu.memory_space<hbm>>
        tpu.wait_dma2 semaphore(%run_scoped3A : memref<!tpu.dma_semaphore, #tpu.memory_space<semaphore_mem>>) src(%dma_wait3A_30 : memref<64xi32, #tpu.memory_space<hbm>>) dst(%arg9 : memref<64xi32, #tpu.memory_space<vmem>>)
        tpu.yield
      }) : () -> ()
      "tpu.region"() ({
        %run_scoped3A = tpu.sem_alloc : memref<!tpu.dma_semaphore, #tpu.memory_space<semaphore_mem>>
        %dma_start3A = tpu.memref_slice %arg4[%multiple_of3A] : memref<321536xi32, #tpu.memory_space<hbm>> -> memref<64xi32, #tpu.memory_space<hbm>>
        %dma_start3A_29 = tpu.memref_slice %arg4[%multiple_of3A] : memref<321536xi32, #tpu.memory_space<hbm>> -> memref<64xi32, #tpu.memory_space<hbm>>
        tpu.enqueue_dma source(%dma_start3A_29 : memref<64xi32, #tpu.memory_space<hbm>>) target(%arg10 : memref<64xi32, #tpu.memory_space<vmem>>) target_semaphore(%run_scoped3A : memref<!tpu.dma_semaphore, #tpu.memory_space<semaphore_mem>>)
        %dma_wait3A = tpu.memref_slice %arg4[%multiple_of3A] : memref<321536xi32, #tpu.memory_space<hbm>> -> memref<64xi32, #tpu.memory_space<hbm>>
        %dma_wait3A_30 = tpu.memref_slice %arg4[%multiple_of3A] : memref<321536xi32, #tpu.memory_space<hbm>> -> memref<64xi32, #tpu.memory_space<hbm>>
        tpu.wait_dma2 semaphore(%run_scoped3A : memref<!tpu.dma_semaphore, #tpu.memory_space<semaphore_mem>>) src(%dma_wait3A_30 : memref<64xi32, #tpu.memory_space<hbm>>) dst(%arg10 : memref<64xi32, #tpu.memory_space<vmem>>)
        tpu.yield
      }) : () -> ()
      "tpu.region"() ({
        %run_scoped3A = tpu.sem_alloc : memref<!tpu.dma_semaphore, #tpu.memory_space<semaphore_mem>>
        %dma_start3A = arith.constant 0 : i32
        %dma_start3A_29 = arith.constant 0 : i32
        %dma_start3A_30 = tpu.memref_slice %arg2[%dma_start3A, %dma_start3A_29] : memref<10000x128xf32, #tpu.memory_space<hbm>> -> memref<10000x128xf32, #tpu.memory_space<hbm>>
        tpu.enqueue_indirect_dma source(%dma_start3A_30 : memref<10000x128xf32, #tpu.memory_space<hbm>>) target(%arg11 : memref<64x128xf32, #tpu.memory_space<vmem>>) offsets(%arg9 : memref<64xi32, #tpu.memory_space<vmem>>) semaphore(%run_scoped3A : memref<!tpu.dma_semaphore, #tpu.memory_space<semaphore_mem>>)
        %dma_wait3A = arith.constant 0 : i32
        %dma_wait3A_31 = arith.constant 0 : i32
        %dma_wait3A_32 = tpu.memref_slice %arg2[%dma_wait3A, %dma_wait3A_31] : memref<10000x128xf32, #tpu.memory_space<hbm>> -> memref<10000x128xf32, #tpu.memory_space<hbm>>
        tpu.wait_indirect_dma semaphore(%run_scoped3A : memref<!tpu.dma_semaphore, #tpu.memory_space<semaphore_mem>>) src(%dma_wait3A_32 : memref<10000x128xf32, #tpu.memory_space<hbm>>) dst(%arg11 : memref<64x128xf32, #tpu.memory_space<vmem>>)
        tpu.yield
      }) : () -> ()
      "tpu.region"() ({
        %run_scoped3A = tpu.sem_alloc : memref<!tpu.dma_semaphore, #tpu.memory_space<semaphore_mem>>
        %dma_start3A = arith.constant 0 : i32
        %dma_start3A_29 = arith.constant 0 : i32
        %dma_start3A_30 = tpu.memref_slice %arg8[%dma_start3A, %dma_start3A_29] : memref<10240x128xf32, #tpu.memory_space<vmem_shared>> -> memref<10240x128xf32, #tpu.memory_space<vmem_shared>>
        tpu.enqueue_indirect_dma source(%arg11 : memref<64x128xf32, #tpu.memory_space<vmem>>) target(%dma_start3A_30 : memref<10240x128xf32, #tpu.memory_space<vmem_shared>>) offsets(%arg10 : memref<64xi32, #tpu.memory_space<vmem>>) semaphore(%run_scoped3A : memref<!tpu.dma_semaphore, #tpu.memory_space<semaphore_mem>>) {add = true}
        %dma_wait3A = arith.constant 0 : i32
        %dma_wait3A_31 = arith.constant 0 : i32
        %dma_wait3A_32 = tpu.memref_slice %arg8[%dma_wait3A, %dma_wait3A_31] : memref<10240x128xf32, #tpu.memory_space<vmem_shared>> -> memref<10240x128xf32, #tpu.memory_space<vmem_shared>>
        tpu.wait_indirect_dma semaphore(%run_scoped3A : memref<!tpu.dma_semaphore, #tpu.memory_space<semaphore_mem>>) src(%arg11 : memref<64x128xf32, #tpu.memory_space<vmem>>) dst(%dma_wait3A_32 : memref<10240x128xf32, #tpu.memory_space<vmem_shared>>)
        tpu.yield
      }) : () -> ()
    }
    %scan3A_14 = arith.constant 157 : i32
    %barrier3A_15 = arith.constant 0 : index
    tpu.barrier barrier_id(%barrier3A_15)
    %scan3A_16 = arith.constant 0 : i32
    %scan3A_17 = arith.constant 10 : i32
    %scan3A_18 = arith.addi %scan3A_16, %scan3A_17 : i32
    %scan3A_19 = arith.constant 1 : i32
    scf.for %scan3A_21 = %scan3A_16 to %scan3A_18 step %scan3A_19  : i32 {
      %mul3A_22 = arith.constant 1 : i32
      %mul3A_23 = arith.muli %scan3A_21, %mul3A_22 : i32
      %add3A_24 = arith.constant 0 : i32
      %add3A_25 = arith.addi %add3A_24, %mul3A_23 : i32
      %mul3A_26 = arith.constant 64 : i32
      %mul3A_27 = arith.muli %add3A_25, %mul3A_26 : i32
      %add3A_28 = arith.addi %mul3A_2, %mul3A_27 : i32
      "tpu.region"() ({
        %run_scoped3A = tpu.sem_alloc : memref<!tpu.dma_semaphore, #tpu.memory_space<semaphore_mem>>
        %dma_start3A = arith.constant 0 : i32
        %dma_start3A_32 = tpu.memref_slice %arg8[%add3A_28, %dma_start3A] : memref<10240x128xf32, #tpu.memory_space<vmem_shared>> -> memref<64x128xf32, #tpu.memory_space<vmem_shared>>
        %dma_start3A_33 = arith.constant 0 : i32
        %dma_start3A_34 = tpu.memref_slice %arg8[%add3A_28, %dma_start3A_33] : memref<10240x128xf32, #tpu.memory_space<vmem_shared>> -> memref<64x128xf32, #tpu.memory_space<vmem_shared>>
        tpu.enqueue_dma source(%dma_start3A_34 : memref<64x128xf32, #tpu.memory_space<vmem_shared>>) target(%arg12 : memref<64x128xf32, #tpu.memory_space<vmem>>) target_semaphore(%run_scoped3A : memref<!tpu.dma_semaphore, #tpu.memory_space<semaphore_mem>>)
        %dma_wait3A = arith.constant 0 : i32
        %dma_wait3A_35 = tpu.memref_slice %arg8[%add3A_28, %dma_wait3A] : memref<10240x128xf32, #tpu.memory_space<vmem_shared>> -> memref<64x128xf32, #tpu.memory_space<vmem_shared>>
        %dma_wait3A_36 = arith.constant 0 : i32
        %dma_wait3A_37 = tpu.memref_slice %arg8[%add3A_28, %dma_wait3A_36] : memref<10240x128xf32, #tpu.memory_space<vmem_shared>> -> memref<64x128xf32, #tpu.memory_space<vmem_shared>>
        tpu.wait_dma2 semaphore(%run_scoped3A : memref<!tpu.dma_semaphore, #tpu.memory_space<semaphore_mem>>) src(%dma_wait3A_37 : memref<64x128xf32, #tpu.memory_space<vmem_shared>>) dst(%arg12 : memref<64x128xf32, #tpu.memory_space<vmem>>)
        tpu.yield
      }) : () -> ()
      %mul3A_29 = arith.constant 10240 : i32
      %mul3A_30 = arith.muli %arg0, %mul3A_29 : i32
      %add3A_31 = arith.addi %mul3A_30, %add3A_28 : i32
      "tpu.region"() ({
        %run_scoped3A = tpu.sem_alloc : memref<!tpu.dma_semaphore, #tpu.memory_space<semaphore_mem>>
        %dma_start3A = arith.constant 0 : i32
        %dma_start3A_32 = tpu.memref_slice %arg7[%add3A_31, %dma_start3A] : memref<20480x128xf32, #tpu.memory_space<hbm>> -> memref<64x128xf32, #tpu.memory_space<hbm>>
        %dma_start3A_33 = arith.constant 0 : i32
        %dma_start3A_34 = tpu.memref_slice %arg7[%add3A_31, %dma_start3A_33] : memref<20480x128xf32, #tpu.memory_space<hbm>> -> memref<64x128xf32, #tpu.memory_space<hbm>>
        tpu.enqueue_dma source(%arg12 : memref<64x128xf32, #tpu.memory_space<vmem>>) target(%dma_start3A_34 : memref<64x128xf32, #tpu.memory_space<hbm>>) target_semaphore(%run_scoped3A : memref<!tpu.dma_semaphore, #tpu.memory_space<semaphore_mem>>)
        %dma_wait3A = arith.constant 0 : i32
        %dma_wait3A_35 = tpu.memref_slice %arg7[%add3A_31, %dma_wait3A] : memref<20480x128xf32, #tpu.memory_space<hbm>> -> memref<64x128xf32, #tpu.memory_space<hbm>>
        %dma_wait3A_36 = arith.constant 0 : i32
        %dma_wait3A_37 = tpu.memref_slice %arg7[%add3A_31, %dma_wait3A_36] : memref<20480x128xf32, #tpu.memory_space<hbm>> -> memref<64x128xf32, #tpu.memory_space<hbm>>
        tpu.wait_dma2 semaphore(%run_scoped3A : memref<!tpu.dma_semaphore, #tpu.memory_space<semaphore_mem>>) src(%arg12 : memref<64x128xf32, #tpu.memory_space<vmem>>) dst(%dma_wait3A_37 : memref<64x128xf32, #tpu.memory_space<hbm>>)
        tpu.yield
      }) : () -> ()
    }
    %scan3A_20 = arith.constant 10 : i32
    return
  }
}

module attributes {stable_mosaic.version = 14 : i64} {
  func.func @pre_body(%arg0: i32, %arg1: memref<1000x128xf32, #tpu.memory_space<vmem>>, %arg2: memref<1000x128xf32, #tpu.memory_space<vmem>>, %arg3: memref<1000x128xf32, #tpu.memory_space<vmem>>, %arg4: memref<1000x32xf32, #tpu.memory_space<vmem>>, %arg5: memref<128x128xf32, #tpu.memory_space<vmem>>, %arg6: memref<128x128xf32, #tpu.memory_space<vmem>>, %arg7: memref<1x128xf32, #tpu.memory_space<vmem>>, %arg8: memref<1000x128xf32, #tpu.memory_space<vmem>>) attributes {dimension_semantics = [#tpu.dimension_semantics<arbitrary>], iteration_bounds = array<i64: 10>, scalar_prefetch = 0 : i64, scratch_operands = 0 : i64, tpu.core_type = #tpu.core_type<tc>, window_params = [{transform_indices = @transform_0, window_bounds = array<i64: 1000, 128>}, {transform_indices = @transform_1, window_bounds = array<i64: 1000, 128>}, {transform_indices = @transform_2, window_bounds = array<i64: 1000, 128>}, {transform_indices = @transform_3, window_bounds = array<i64: 1000, 32>}, {pipeline_mode = #tpu.pipeline_mode<synchronous>, transform_indices = @transform_4, window_bounds = array<i64: 128, 128>}, {pipeline_mode = #tpu.pipeline_mode<synchronous>, transform_indices = @transform_5, window_bounds = array<i64: 128, 128>}, {pipeline_mode = #tpu.pipeline_mode<synchronous>, transform_indices = @transform_6, window_bounds = array<i64: 1, 128>}, {transform_indices = @transform_7, window_bounds = array<i64: 1000, 128>}]} {
    %get3A = arith.constant 0 : index
    %get3A_0 = arith.constant 0 : index
    %get3A_1 = vector.load %arg2[%get3A, %get3A_0] : memref<1000x128xf32, #tpu.memory_space<vmem>>, vector<1000x128xf32>
    %get3A_2 = arith.constant 0 : index
    %get3A_3 = arith.constant 0 : index
    %get3A_4 = vector.load %arg3[%get3A_2, %get3A_3] : memref<1000x128xf32, #tpu.memory_space<vmem>>, vector<1000x128xf32>
    %add3A = arith.addf %get3A_1, %get3A_4 : vector<1000x128xf32>
    %get3A_5 = arith.constant 0 : index
    %get3A_6 = arith.constant 0 : index
    %get3A_7 = vector.load %arg4[%get3A_5, %get3A_6] : memref<1000x32xf32, #tpu.memory_space<vmem>>, vector<1000x32xf32>
    %reduce_sum3A = arith.constant dense<0.000000e+00> : vector<1000xf32>
    %reduce_sum3A_8 = vector.multi_reduction <add>, %get3A_7, %reduce_sum3A [1] : vector<1000x32xf32> to vector<1000xf32>
    %broadcast_in_dim3A = vector.shape_cast %reduce_sum3A_8 : vector<1000xf32> to vector<1000x1xf32>
    %max3A = arith.constant 1.000000e+00 : f32
    %max3A_9 = vector.broadcast %max3A : f32 to vector<1000x1xf32>
    %max3A_10 = arith.maximumf %broadcast_in_dim3A, %max3A_9 : vector<1000x1xf32>
    %div3A = vector.broadcast %max3A_10 : vector<1000x1xf32> to vector<1000x128xf32>
    %div3A_11 = arith.divf %add3A, %div3A : vector<1000x128xf32>
    %get3A_12 = arith.constant 0 : index
    %get3A_13 = arith.constant 0 : index
    %get3A_14 = vector.load %arg1[%get3A_12, %get3A_13] : memref<1000x128xf32, #tpu.memory_space<vmem>>, vector<1000x128xf32>
    %get3A_15 = arith.constant 0 : index
    %get3A_16 = arith.constant 0 : index
    %get3A_17 = vector.load %arg5[%get3A_15, %get3A_16] : memref<128x128xf32, #tpu.memory_space<vmem>>, vector<128x128xf32>
    %dot_general3A = arith.constant dense<0.000000e+00> : vector<1000x128xf32>
    %dot_general3A_18 = tpu.matmul %get3A_14, %get3A_17, %dot_general3A {dimension_numbers = #tpu.dot_dimension_numbers<[1], [0], [0], [1], [0, 0, 1, 1], [], []>, precision = #tpu.contract_precision<fp32>, transpose_lhs_hint = false} : vector<1000x128xf32>, vector<128x128xf32>, vector<1000x128xf32> -> vector<1000x128xf32>
    %get3A_19 = arith.constant 0 : index
    %get3A_20 = arith.constant 0 : index
    %get3A_21 = vector.load %arg6[%get3A_19, %get3A_20] : memref<128x128xf32, #tpu.memory_space<vmem>>, vector<128x128xf32>
    %dot_general3A_22 = arith.constant dense<0.000000e+00> : vector<1000x128xf32>
    %dot_general3A_23 = tpu.matmul %div3A_11, %get3A_21, %dot_general3A_22 {dimension_numbers = #tpu.dot_dimension_numbers<[1], [0], [0], [1], [0, 0, 1, 1], [], []>, precision = #tpu.contract_precision<fp32>, transpose_lhs_hint = false} : vector<1000x128xf32>, vector<128x128xf32>, vector<1000x128xf32> -> vector<1000x128xf32>
    %add3A_24 = arith.addf %dot_general3A_18, %dot_general3A_23 : vector<1000x128xf32>
    %get3A_25 = arith.constant 0 : index
    %get3A_26 = arith.constant 0 : index
    %get3A_27 = vector.load %arg7[%get3A_25, %get3A_26] : memref<1x128xf32, #tpu.memory_space<vmem>>, vector<1x128xf32>
    %add3A_28 = vector.broadcast %get3A_27 : vector<1x128xf32> to vector<1000x128xf32>
    %add3A_29 = arith.addf %add3A_24, %add3A_28 : vector<1000x128xf32>
    %swap3A = arith.constant 0 : index
    %swap3A_30 = arith.constant 0 : index
    %swap3A_31 = vector.load %arg8[%swap3A, %swap3A_30] : memref<1000x128xf32, #tpu.memory_space<vmem>>, vector<1000x128xf32>
    tpu.vector_store %arg8[%swap3A, %swap3A_30], %add3A_29 {strides = array<i32>} : memref<1000x128xf32, #tpu.memory_space<vmem>>, vector<1000x128xf32>,
    return
  }
  func.func @transform_0(%arg0: i32) -> (i32, i32) {
    %c0_i32 = arith.constant 0 : i32
    %c0_i32_0 = arith.constant 0 : i32
    return %arg0, %c0_i32 : i32, i32
  }
  func.func @transform_1(%arg0: i32) -> (i32, i32) {
    %c0_i32 = arith.constant 0 : i32
    %c0_i32_0 = arith.constant 0 : i32
    return %arg0, %c0_i32 : i32, i32
  }
  func.func @transform_2(%arg0: i32) -> (i32, i32) {
    %c0_i32 = arith.constant 0 : i32
    %c0_i32_0 = arith.constant 0 : i32
    return %arg0, %c0_i32 : i32, i32
  }
  func.func @transform_3(%arg0: i32) -> (i32, i32) {
    %c0_i32 = arith.constant 0 : i32
    %c0_i32_0 = arith.constant 0 : i32
    return %arg0, %c0_i32 : i32, i32
  }
  func.func @transform_4(%arg0: i32) -> (i32, i32) {
    %c0_i32 = arith.constant 0 : i32
    %c0_i32_0 = arith.constant 0 : i32
    %c0_i32_1 = arith.constant 0 : i32
    return %c0_i32, %c0_i32_0 : i32, i32
  }
  func.func @transform_5(%arg0: i32) -> (i32, i32) {
    %c0_i32 = arith.constant 0 : i32
    %c0_i32_0 = arith.constant 0 : i32
    %c0_i32_1 = arith.constant 0 : i32
    return %c0_i32, %c0_i32_0 : i32, i32
  }
  func.func @transform_6(%arg0: i32) -> (i32, i32) {
    %c0_i32 = arith.constant 0 : i32
    %c0_i32_0 = arith.constant 0 : i32
    %c0_i32_1 = arith.constant 0 : i32
    return %c0_i32, %c0_i32_0 : i32, i32
  }
  func.func @transform_7(%arg0: i32) -> (i32, i32) {
    %c0_i32 = arith.constant 0 : i32
    %c0_i32_0 = arith.constant 0 : i32
    return %arg0, %c0_i32 : i32, i32
  }
}

module attributes {stable_mosaic.version = 14 : i64} {
  func.func @bn_body(%arg0: memref<10000x128xf32, #tpu.memory_space<vmem>>, %arg1: memref<1x128xf32, #tpu.memory_space<vmem>>, %arg2: memref<1x128xf32, #tpu.memory_space<vmem>>, %arg3: memref<10000x128xf32, #tpu.memory_space<vmem>>) attributes {dimension_semantics = [], scalar_prefetch = 0 : i64, scratch_operands = 0 : i64, tpu.core_type = #tpu.core_type<tc>} {
    %get3A = arith.constant 0 : index
    %get3A_0 = arith.constant 0 : index
    %get3A_1 = vector.load %arg0[%get3A, %get3A_0] : memref<10000x128xf32, #tpu.memory_space<vmem>>, vector<10000x128xf32>
    %reduce_sum3A = arith.constant dense<0.000000e+00> : vector<128xf32>
    %reduce_sum3A_2 = vector.multi_reduction <add>, %get3A_1, %reduce_sum3A [0] : vector<10000x128xf32> to vector<128xf32>
    %broadcast_in_dim3A = vector.shape_cast %reduce_sum3A_2 : vector<128xf32> to vector<1x128xf32>
    %div3A = arith.constant 1.000000e+04 : f32
    %div3A_3 = vector.broadcast %div3A : f32 to vector<1x128xf32>
    %div3A_4 = arith.divf %broadcast_in_dim3A, %div3A_3 : vector<1x128xf32>
    %sub3A = vector.broadcast %div3A_4 : vector<1x128xf32> to vector<10000x128xf32>
    %sub3A_5 = arith.subf %get3A_1, %sub3A : vector<10000x128xf32>
    %integer_pow3A = arith.mulf %sub3A_5, %sub3A_5 : vector<10000x128xf32>
    %reduce_sum3A_6 = arith.constant dense<0.000000e+00> : vector<128xf32>
    %reduce_sum3A_7 = vector.multi_reduction <add>, %integer_pow3A, %reduce_sum3A_6 [0] : vector<10000x128xf32> to vector<128xf32>
    %broadcast_in_dim3A_8 = vector.shape_cast %reduce_sum3A_7 : vector<128xf32> to vector<1x128xf32>
    %div3A_9 = arith.constant 1.000000e+04 : f32
    %div3A_10 = vector.broadcast %div3A_9 : f32 to vector<1x128xf32>
    %div3A_11 = arith.divf %broadcast_in_dim3A_8, %div3A_10 : vector<1x128xf32>
    %sub3A_12 = vector.broadcast %div3A_4 : vector<1x128xf32> to vector<10000x128xf32>
    %sub3A_13 = arith.subf %get3A_1, %sub3A_12 : vector<10000x128xf32>
    %add3A = arith.constant 9.99999974E-6 : f32
    %add3A_14 = vector.broadcast %add3A : f32 to vector<1x128xf32>
    %add3A_15 = arith.addf %div3A_11, %add3A_14 : vector<1x128xf32>
    %rsqrt3A = math.rsqrt %add3A_15 : vector<1x128xf32>
    %mul3A = vector.broadcast %rsqrt3A : vector<1x128xf32> to vector<10000x128xf32>
    %mul3A_16 = arith.mulf %sub3A_13, %mul3A : vector<10000x128xf32>
    %get3A_17 = arith.constant 0 : index
    %get3A_18 = arith.constant 0 : index
    %get3A_19 = vector.load %arg1[%get3A_17, %get3A_18] : memref<1x128xf32, #tpu.memory_space<vmem>>, vector<1x128xf32>
    %mul3A_20 = vector.broadcast %get3A_19 : vector<1x128xf32> to vector<10000x128xf32>
    %mul3A_21 = arith.mulf %mul3A_20, %mul3A_16 : vector<10000x128xf32>
    %get3A_22 = arith.constant 0 : index
    %get3A_23 = arith.constant 0 : index
    %get3A_24 = vector.load %arg2[%get3A_22, %get3A_23] : memref<1x128xf32, #tpu.memory_space<vmem>>, vector<1x128xf32>
    %add3A_25 = vector.broadcast %get3A_24 : vector<1x128xf32> to vector<10000x128xf32>
    %add3A_26 = arith.addf %mul3A_21, %add3A_25 : vector<10000x128xf32>
    %max3A = arith.constant 0.000000e+00 : f32
    %max3A_27 = vector.broadcast %max3A : f32 to vector<10000x128xf32>
    %max3A_28 = arith.maximumf %add3A_26, %max3A_27 : vector<10000x128xf32>
    %swap3A = arith.constant 0 : index
    %swap3A_29 = arith.constant 0 : index
    %swap3A_30 = vector.load %arg3[%swap3A, %swap3A_29] : memref<10000x128xf32, #tpu.memory_space<vmem>>, vector<10000x128xf32>
    tpu.vector_store %arg3[%swap3A, %swap3A_29], %max3A_28 {strides = array<i32>} : memref<10000x128xf32, #tpu.memory_space<vmem>>, vector<10000x128xf32>,
    return
  }
}

module attributes {stable_mosaic.version = 14 : i64} {
  func.func @bn_body(%arg0: memref<10000x128xf32, #tpu.memory_space<vmem>>, %arg1: memref<1x128xf32, #tpu.memory_space<vmem>>, %arg2: memref<1x128xf32, #tpu.memory_space<vmem>>, %arg3: memref<10000x128xf32, #tpu.memory_space<vmem>>) attributes {dimension_semantics = [], scalar_prefetch = 0 : i64, scratch_operands = 0 : i64, tpu.core_type = #tpu.core_type<tc>} {
    %get3A = arith.constant 0 : index
    %get3A_0 = arith.constant 0 : index
    %get3A_1 = vector.load %arg0[%get3A, %get3A_0] : memref<10000x128xf32, #tpu.memory_space<vmem>>, vector<10000x128xf32>
    %reduce_sum3A = arith.constant dense<0.000000e+00> : vector<128xf32>
    %reduce_sum3A_2 = vector.multi_reduction <add>, %get3A_1, %reduce_sum3A [0] : vector<10000x128xf32> to vector<128xf32>
    %broadcast_in_dim3A = vector.shape_cast %reduce_sum3A_2 : vector<128xf32> to vector<1x128xf32>
    %div3A = arith.constant 1.000000e+04 : f32
    %div3A_3 = vector.broadcast %div3A : f32 to vector<1x128xf32>
    %div3A_4 = arith.divf %broadcast_in_dim3A, %div3A_3 : vector<1x128xf32>
    %sub3A = vector.broadcast %div3A_4 : vector<1x128xf32> to vector<10000x128xf32>
    %sub3A_5 = arith.subf %get3A_1, %sub3A : vector<10000x128xf32>
    %integer_pow3A = arith.mulf %sub3A_5, %sub3A_5 : vector<10000x128xf32>
    %reduce_sum3A_6 = arith.constant dense<0.000000e+00> : vector<128xf32>
    %reduce_sum3A_7 = vector.multi_reduction <add>, %integer_pow3A, %reduce_sum3A_6 [0] : vector<10000x128xf32> to vector<128xf32>
    %broadcast_in_dim3A_8 = vector.shape_cast %reduce_sum3A_7 : vector<128xf32> to vector<1x128xf32>
    %div3A_9 = arith.constant 1.000000e+04 : f32
    %div3A_10 = vector.broadcast %div3A_9 : f32 to vector<1x128xf32>
    %div3A_11 = arith.divf %broadcast_in_dim3A_8, %div3A_10 : vector<1x128xf32>
    %sub3A_12 = vector.broadcast %div3A_4 : vector<1x128xf32> to vector<10000x128xf32>
    %sub3A_13 = arith.subf %get3A_1, %sub3A_12 : vector<10000x128xf32>
    %add3A = arith.constant 9.99999974E-6 : f32
    %add3A_14 = vector.broadcast %add3A : f32 to vector<1x128xf32>
    %add3A_15 = arith.addf %div3A_11, %add3A_14 : vector<1x128xf32>
    %rsqrt3A = math.rsqrt %add3A_15 : vector<1x128xf32>
    %mul3A = vector.broadcast %rsqrt3A : vector<1x128xf32> to vector<10000x128xf32>
    %mul3A_16 = arith.mulf %sub3A_13, %mul3A : vector<10000x128xf32>
    %get3A_17 = arith.constant 0 : index
    %get3A_18 = arith.constant 0 : index
    %get3A_19 = vector.load %arg1[%get3A_17, %get3A_18] : memref<1x128xf32, #tpu.memory_space<vmem>>, vector<1x128xf32>
    %mul3A_20 = vector.broadcast %get3A_19 : vector<1x128xf32> to vector<10000x128xf32>
    %mul3A_21 = arith.mulf %mul3A_20, %mul3A_16 : vector<10000x128xf32>
    %get3A_22 = arith.constant 0 : index
    %get3A_23 = arith.constant 0 : index
    %get3A_24 = vector.load %arg2[%get3A_22, %get3A_23] : memref<1x128xf32, #tpu.memory_space<vmem>>, vector<1x128xf32>
    %add3A_25 = vector.broadcast %get3A_24 : vector<1x128xf32> to vector<10000x128xf32>
    %add3A_26 = arith.addf %mul3A_21, %add3A_25 : vector<10000x128xf32>
    %logistic3A = arith.negf %add3A_26 : vector<10000x128xf32>
    %logistic3A_27 = math.exp %logistic3A : vector<10000x128xf32>
    %logistic3A_28 = arith.constant 1.000000e+00 : f32
    %logistic3A_29 = vector.broadcast %logistic3A_28 : f32 to vector<10000x128xf32>
    %logistic3A_30 = arith.addf %logistic3A_29, %logistic3A_27 : vector<10000x128xf32>
    %logistic3A_31 = arith.divf %logistic3A_29, %logistic3A_30 : vector<10000x128xf32>
    %swap3A = arith.constant 0 : index
    %swap3A_32 = arith.constant 0 : index
    %swap3A_33 = vector.load %arg3[%swap3A, %swap3A_32] : memref<10000x128xf32, #tpu.memory_space<vmem>>, vector<10000x128xf32>
    tpu.vector_store %arg3[%swap3A, %swap3A_32], %logistic3A_31 {strides = array<i32>} : memref<10000x128xf32, #tpu.memory_space<vmem>>, vector<10000x128xf32>,
    return
  }
}

</mosaic_0001>

<sc_bundles>
// kernel: kernel.11.cloned.1.call-start
scs
__scs_entry_jumppad:
0x0: {  	(pc) =	sbr.rel $0x88, $3  }
0x1: {  	(tag) =	ssettag $0x0;
	lr =	simm.s32 $0x1  }
0x2: {  	[smem:$0x3F95] =	sst lr;
	_ =	strace $0xD0000000  }
0x3: {  	_ = 	snop  }
0x4: {  	_ = 	snop  }
0x5: {  	_ = 	snop  }
0x6: {  	_ = 	snop  }
0x7: {  	_ = 	snop  }
__scs_overlays_trampoline_lowered:
0x8: {  	[smem:$0x3FA4] =	sst s0  }
0x9: {  	[smem:$0x3FA5] =	sst s1  }
0xa: {  	[smem:$0x3FA6] =	sst s2  }
0xb: {  	[smem:$0x3FA7] =	sst s3  }
0xc: {  	[smem:$0x3FA8] =	sst s4  }
0xd: {  	[smem:$0x3FA9] =	sst s5  }
0xe: {  	[smem:$0x3FAA] =	sst s6  }
0xf: {  	[smem:$0x3FAB] =	sst s7  }
0x10: {  	[smem:$0x3FAC] =	sst s8  }
0x11: {  	[smem:$0x3FAD] =	sst s9;
	s0 =	simm.s32 @!p0 $0x0  }
0x12: {  	s1 =	sld [smem:$0x3F93];
	s0 =	simm.s32 @p0 $0x1  }
0x13: {  	[smem:$0x3FAE] =	sst s0;
	s0 =	simm.s32 @!p1 $0x0  }
0x14: {  	s2 =	sld [smem:$0x3F92];
	s0 =	simm.s32 @p1 $0x1  }
0x15: {  	[smem:$0x3FAF] =	sst s0;
	s0 =	simm.s32 @!p2 $0x0  }
0x16: {  	s3 =	sld [smem:$0x3FDB];
	s0 =	simm.s32 @p2 $0x1  }
0x17: {  	s4 =	simm.s32 $0x1BF5;
	[smem:$0x3FB1] =	sst s0  }
0x18: {  	s0 =	sld [smem:$0x3F94];
	_ =	swait.ge [sflag:s4], $0x0  }
0x19: {  	s7 =	sld [smem:$0x3F95]  }
0x1a: {  	s8 =	sadd.s32 $0xFFFFE003, lr  }
0x1b: {  	s9 =	sadd.s32 $0xFFFFFEF7, lr;
	s5 =	simm.s32 $0xFFFFFFFF;
	p2 =	slt.u32 s8, $0xFFFFF086  }
0x1c: {  	p1 =	slt.u32 s9, $0xF7A;
	s5 =	simm.s32 @!p2 $0x0  }
0x1d: {  	s5 =	simm.s32 @p1 $0x1;
	p0 =	seq.s32 s7, s2  }
0x1e: {  	s7 =	smul.u32 @!p0 $0xF7A, s2;
	p2 =	seq.s32 @!p0 s5, $0x0  }
0x1f: {  	s9 =	smul.u32 $0xF7A, s1;
	s8 =	simm.s32 @!p0 $0x1BF5;
	p2 =	por !p2, p0  }
0x20: {  	[sflag:s8] =	ssyncset.s32 @!p0 $0xFFFFF086;
	s6 =	sadd.s32 @!p0 s3, s7;
	s7 =	simm.s32 @!p0 $0x108  }
0x21: {  	s3 =	sadd.s32 s3, s9;
	s6 =	sadd.s32 @!p0 $0x88, s6;
	s7 =	simm.s32 @p2 $0x1082  }
0x22: {  	[simem:s7], [sflag:s8] =	dma.local @!p0 [hbm:s6], $0xF7A  }
0x23: {  	s9 =	sor.u32 $0xD0000000, s2;
	s6 =	simm.s32 $0x108;
	_ =	swait.ge @!p0 [sflag:s8], $0x0  }
0x24: {  	s3 =	sadd.s32 $0x88, s3;
	s6 =	simm.s32 @!p1 $0x1082;
	[sflag:s4] =	ssyncset.s32 $0xFFFFF086  }
0x25: {  	[simem:s6], [sflag:s4] =	dma.local [hbm:s3], $0xF7A  }
0x26: {  	[smem:$0x3F95] =	sst s1;
	(tag) =	ssettag s2;
	_ =	strace s9  }
0x27: {  	s1 =	sld [smem:$0x3FA5]  }
0x28: {  	s2 =	sld [smem:$0x3FA6]  }
0x29: {  	s4 =	sld [smem:$0x3FA8]  }
0x2a: {  	p0 =	seq.s32 s5, $0x0;
	s5 =	sld [smem:$0x3FA9]  }
0x2b: {  	s6 =	sld [smem:$0x3FAA]  }
0x2c: {  	s7 =	sld [smem:$0x3FAB]  }
0x2d: {  	s3 =	simm.s32 $0x108;
	s8 =	sld [smem:$0x3FAC]  }
0x2e: {  	s3 =	simm.s32 @!p0 $0x1082;
	s9 =	sld [smem:$0x3FAD]  }
0x2f: {  	lr =	sadd.s32 s0, s3;
	s0 =	sld [smem:$0x3FA4]  }
0x30: {  	s3 =	sld [smem:$0x3FA7]  }
0x31: {  	[smem:$0x3FB0] =	sst s10  }
0x32: {  	s10 =	sld [smem:$0x3FAE];
	_ =	sdelay $0x3  }
0x33: {  	p0 =	seq.s32 s10, $0x1;
	s10 =	sld [smem:$0x3FB0];
	_ =	sdelay $0x3  }
0x34: {  	[smem:$0x3FB0] =	sst s10  }
0x35: {  	s10 =	sld [smem:$0x3FAF];
	_ =	sdelay $0x3  }
0x36: {  	p1 =	seq.s32 s10, $0x1;
	s10 =	sld [smem:$0x3FB0];
	_ =	sdelay $0x3  }
0x37: {  	[smem:$0x3FB0] =	sst s10  }
0x38: {  	s10 =	sld [smem:$0x3FB1]  }
0x39: {  	_ = 	snop;
	(pc) =	sbr.ind lr, $3  }
0x3a: {  	_ = 	snop  }
0x3b: {  	_ = 	snop  }
0x3c: {  	p2 =	seq.s32 s10, $0x1;
	s10 =	sld [smem:$0x3FB0]  }
0x3d: {  	_ =	shalt  }
0x3e: {  	_ =	shalt  }
0x3f: {  	_ =	shalt  }
0x40: {  	_ =	shalt  }
0x41: {  	_ =	shalt  }
0x42: {  	_ =	shalt  }
0x43: {  	_ =	shalt  }
0x44: {  	_ =	shalt  }
0x45: {  	_ =	shalt  }
0x46: {  	_ =	shalt  }
0x47: {  	_ =	shalt  }
0x48: {  	_ =	shalt  }
0x49: {  	_ =	shalt  }
0x4a: {  	_ =	shalt  }
0x4b: {  	_ =	shalt  }
0x4c: {  	_ =	shalt  }
0x4d: {  	_ =	shalt  }
0x4e: {  	_ =	shalt  }
0x4f: {  	_ =	shalt  }
0x50: {  	_ =	shalt  }
0x51: {  	_ =	shalt  }
0x52: {  	_ =	shalt  }
0x53: {  	_ =	shalt  }
0x54: {  	_ =	shalt  }
0x55: {  	_ =	shalt  }
0x56: {  	_ =	shalt  }
0x57: {  	_ =	shalt  }
0x58: {  	_ =	shalt  }
0x59: {  	_ =	shalt  }
0x5a: {  	_ =	shalt  }
0x5b: {  	_ =	shalt  }
0x5c: {  	_ =	shalt  }
0x5d: {  	_ =	shalt  }
0x5e: {  	_ =	shalt  }
0x5f: {  	_ =	shalt  }
0x60: {  	_ =	shalt  }
0x61: {  	_ =	shalt  }
0x62: {  	_ =	shalt  }
0x63: {  	_ =	shalt  }
0x64: {  	_ =	shalt  }
0x65: {  	_ =	shalt  }
0x66: {  	_ =	shalt  }
0x67: {  	_ =	shalt  }
0x68: {  	_ =	shalt  }
0x69: {  	_ =	shalt  }
0x6a: {  	_ =	shalt  }
0x6b: {  	_ =	shalt  }
0x6c: {  	_ =	shalt  }
0x6d: {  	_ =	shalt  }
0x6e: {  	_ =	shalt  }
0x6f: {  	_ =	shalt  }
0x70: {  	_ =	shalt  }
0x71: {  	_ =	shalt  }
0x72: {  	_ =	shalt  }
0x73: {  	_ =	shalt  }
0x74: {  	_ =	shalt  }
0x75: {  	_ =	shalt  }
0x76: {  	_ =	shalt  }
0x77: {  	_ =	shalt  }
0x78: {  	_ =	shalt  }
0x79: {  	_ =	shalt  }
0x7a: {  	_ =	shalt  }
0x7b: {  	_ =	shalt  }
0x7c: {  	_ =	shalt  }
0x7d: {  	_ =	shalt  }
0x7e: {  	_ =	shalt  }
0x7f: {  	_ =	shalt  }
0x80: {  	_ =	shalt  }
0x81: {  	_ =	shalt  }
0x82: {  	_ =	shalt  }
0x83: {  	_ =	shalt  }
0x84: {  	_ =	shalt  }
0x85: {  	_ =	shalt  }
0x86: {  	_ =	shalt  }
0x87: {  	_ =	shalt  }
.Lfunc_end0:
.L_simem_size_0:
called_computation.1_lowered:
.L_overlay_start_0:
0x88: {  	s2 =	sld [smem:$0x3FD9]  }
0x89: {  	s3 =	sld [smem:$0x3FFE];
	_ =	sdelay $0x1  }
0x8a: {  	s1 =	srdreg.scid  }
0x8b: {  	s0 =	sand.u32 $0x1, s1  }
0x8c: {  	s16 =	sshll.u32 s0, $0xA;
	s2 =	sadd.s32 s3, s2  }
0x8d: {  	s2 =	sadd.s32 s2, s16  }
0x8e: {  	[smem:$0x3FBC] =	sst s2  }
0x8f: {  	_ = 	snop  }
0x90: {  	(tm) =	ssettm $0x1  }
0x91: {  	s17 =	sld [smem:$0x3FFB];
	_ =	sdelay $0x3  }
0x92: {  	_ =	strace s17  }
0x93: {  	s2 =	sld [smem:$0x3FFC];
	_ =	sdelay $0x3  }
0x94: {  	_ =	strace s2  }
0x95: {  	s2 =	sld [smem:$0x3FFD];
	_ =	sdelay $0x3  }
0x96: {  	_ =	strace s2  }
0x97: {  	_ =	strace $0x8FFFFFFF  }
0x98: {  	s18 =	sld [smem:$0x3FDB];
	_ =	sdelay $0x1  }
0x99: {  	s19 =	simm.s32 $_scs_section_size  }
0x9a: {  	s4 =	simm.s32 $_size__tile_overlayer_lowered;
	s5 =	simm.s32 $_tile_overlayer_lowered  }
0x9b: {  	s22 =	simm.s32 $0x1BFF;
	s21 =	sshll.u32 s5, $0x1;
	s2 =	sadd.s32 s19, s18  }
0x9c: {  	s6 =	simm.s32 $0x0;
	s20 =	sshll.u32 s4, $0x1;
	s4 =	sadd.s32 s21, s2  }
0x9d: {  	[timem:s6], [sflag:s22] =	dma.local [hbm:s4], s20  }
0x9e: {  	_ =	swait.ge [sflag:s22], s20  }
0x9f: {  	s3 =	ssub.s32 $0x0, s20;
	[sflag:s22] =	ssyncset.done $0x0  }
0xa0: {  	[sflag:s22] =	ssyncadd.s32 s3;
	_ =	sdelay $0x1  }
0xa1: {  	s23 =	simm.s32 $0x1B8B  }
0xa2: {  	_ =	swait.ge [sflag:s23], $0x1  }
0xa3: {  	[sflag:s23] =	ssyncset.done $0x0  }
0xa4: {  	s25 =	simm.s32 $0x1B8E;
	s24 =	sld [smem:$0x3FFE];
	[sflag:s23] =	ssyncadd.s32 $0xFFFFFFFF  }
0xa5: {  	s26 =	simm.s32 $execute0_lowered;
	[smem:$0x3FD2] =	sst s25  }
0xa6: {  	s4 =	sshll.u32 s26, $0x1;
	_ =	strace $0x80000049;
	[dreg:$0x1] =	wrdreg $0xFFFFFFFF  }
0xa7: {  	s28 =	simm.s32 $_size_execute0_lowered;
	s2 =	sadd.s32 s2, s4;
	[dreg:$0x0] =	wrdreg $0x0  }
0xa8: {  	s4 =	sshll.u32 s28, $0x1;
	[dreg:$0x2] =	wrdreg s2  }
0xa9: {  	[dreg:$0x3] =	wrdreg s4  }
0xaa: {  	[dreg:$0x4] =	wrdreg $0xC0  }
0xab: {  	_ =	task [dreg:s6], $0x5FFFF  }
0xac: {  	[dreg:$0x1] =	wrdreg $0xFFFFFFFF  }
0xad: {  	[dreg:$0x0] =	wrdreg $0x60  }
0xae: {  	[dreg:$0x2] =	wrdreg s24  }
0xaf: {  	[dreg:$0x3] =	wrdreg $0x0  }
0xb0: {  	[dreg:$0x4] =	wrdreg $0x9  }
0xb1: {  	_ =	task.clear_ibuf [dreg:s6], $0x5FFFF;
	_ =	strace $0x90000049  }
0xb2: {  	s29 =	simm.s32 $0x9;
	_ =	strace $0x8000004B  }
0xb3: {  	_ =	swait.ge [sflag:s29], $0x1  }
0xb4: {  	[sflag:s29] =	ssyncadd.s32 $0xFFFFFFFF  }
0xb5: {  	_ =	strace $0x9000004B  }
0xb6: {  	_ =	sfence  }
0xb7: {  	s30 =	sld [smem:$0x0];
	_ =	sdelay $0x2  }
0xb8: {  	s31 =	sshll.u32 s1, $0xD;
	s1 =	sshrl.u32 s1, $0x2  }
0xb9: {  	s3 =	sand.u32 $0x4000, s31;
	s1 =	sadd.s32 s1, s30  }
0xba: {  	s0 =	sor.u32 s3, s0;
	s1 =	sshll.u32 s1, $0x11  }
0xbb: {  	s0 =	sor.u32 s1, s0  }
0xbc: {  	s0 =	sadd.s32 $0x8F2B, s0  }
0xbd: {  	[sflag:s0] =	ssyncadd.remote.s32 $0x1  }
0xbe: {  	_ =	sfence.sel $0xFFFF  }
0xbf: {  	[dreg:$0x0] =	wrdreg $0xFFFFFFFF;
	(pc) =	sbr.abs _section_cstart, $3  }
0xc0: {  	[dreg:$0x1] =	wrdreg $0xFFFFFFFF  }
0xc1: {  	_ =	task.clear_ibuf [dreg:s6], $0x2FFFF;
	_ =	strace $0x9FFFFFFF  }
0xc2: {  	(tm) =	ssettm $0x7FFFFFFF  }
0xc3: {  	_ =	shalt  }
tec
execute0_lowered:
.L_overlay_start_1:
0x0: {  	(tag) =	ssettag $0x1  }
0x1: {  	s0 =	srdreg.scid;
	s16 =	stileid.u32  }
0x2: {  	s4 =	rddreg [dreg:$0x0];
	s5 =	smul.u32 $0x2740, s16  }
0x3: {  	s1 =	rddreg [dreg:$0x1];
	s6 =	smul.u32 $0x280, s16  }
0x4: {  	s2 =	simm.s32 $0x0;
	s0 =	sand.u32 $0x1, s0;
	s24 =	smul.u32 $0x50000, s16  }
0x5: {  	[smem:$0x7FF] =	sst s2;
	s3 =	smul.u32 $0x27400, s0;
	s7 =	ssub.s32 $0x2, s0  }
0x6: {  	s8 =	sadd.s32 $0x3E200, s4;
	s0 =	smul.u32 $0x2800, s0;
	s12 =	sshrl.u32 s7, $0x1  }
0x7: {  	s9 =	sor.u32 $0x40, s6;
	s10 =	sadd.s32 $0x80, s6;
	s26 =	sshrl.u32 s24, $0x2  }
0x8: {  	s3 =	sadd.s32 s5, s3;
	s5 =	ssub.s32 s7, s12;
	s13 =	sadd.s32 s0, s6  }
0x9: {  	s14 =	sadd.s32 s0, s9;
	s11 =	sadd.s32 s0, s10;
	s12 =	sadd.s32 $0xC0, s6  }
0xa: {  	s16 =	sadd.s32 s26, s1;
	s7 =	sshll.u32 s13, $0x4;
	s11 =	sshll.u32 s11, $0x4  }
0xb: {  	s17 =	sadd.s32 s0, s12;
	s13 =	sadd.s32 $0x140, s6;
	s25 =	sshrl.u32 s3, $0x3  }
0xc: {  	s30 =	sadd.s32 $0x2000, s16;
	s31 =	sadd.s32 $0x4000, s16;
	s7 =	sadd.s32 s8, s7  }
0xd: {  	s15 =	sadd.s32 s8, s11;
	s11 =	sadd.s32 $0x100, s6;
	[dreg:$0x3] =	wrdreg s7  }
0xe: {  	s7 =	sshll.u32 s14, $0x4;
	[dreg:$0x5] =	wrdreg s15;
	s18 =	sadd.s32 s0, s11  }
0xf: {  	s14 =	sadd.s32 s0, s13;
	s15 =	sadd.s32 $0x180, s6;
	s7 =	sadd.s32 s8, s7  }
0x10: {  	s14 =	sshll.u32 s14, $0x4;
	s20 =	sadd.s32 s0, s15;
	[dreg:$0x4] =	wrdreg s7  }
0x11: {  	s7 =	sshll.u32 s17, $0x4;
	s19 =	sadd.s32 s8, s14;
	s17 =	sadd.s32 $0x1C0, s6  }
0x12: {  	s7 =	sadd.s32 s8, s7;
	[dreg:$0x8] =	wrdreg s19;
	s21 =	sadd.s32 s0, s17  }
0x13: {  	s24 =	sshll.u32 s17, $0x7;
	s17 =	simm.s32 $0x0;
	[dreg:$0x6] =	wrdreg s7  }
0x14: {  	s7 =	sshll.u32 s18, $0x4;
	s18 =	sadd.s32 $0x200, s6;
	s6 =	sadd.s32 $0x240, s6  }
0x15: {  	s24 =	sadd.s32 s24, s1;
	s7 =	sadd.s32 s8, s7;
	s22 =	sadd.s32 s0, s18  }
0x16: {  	s0 =	sadd.s32 s0, s6;
	s26 =	sshll.u32 s6, $0x7;
	s6 =	sadd.s32 $0x10000, s16  }
0x17: {  	[dreg:$0x7] =	wrdreg s7;
	s7 =	sshll.u32 s20, $0x4;
	s14 =	sshll.u32 s22, $0x4  }
0x18: {  	s0 =	sshll.u32 s0, $0x4;
	s20 =	sshll.u32 s11, $0x7;
	s22 =	sshll.u32 s15, $0x7  }
0x19: {  	s26 =	sadd.s32 s26, s1;
	s11 =	simm.s32 $0x14000;
	s7 =	sadd.s32 s8, s7  }
0x1a: {  	s15 =	simm.s32 $0x14100;
	s23 =	sadd.s32 s8, s14;
	[dreg:$0x9] =	wrdreg s7  }
0x1b: {  	s0 =	sadd.s32 s8, s0;
	s14 =	sadd.s32 $0x17000, s4;
	[dreg:$0xb] =	wrdreg s23  }
0x1c: {  	s7 =	sshll.u32 s21, $0x4;
	[dreg:$0xc] =	wrdreg s0;
	s0 =	sadd.s32 s25, s4  }
0x1d: {  	s4 =	sadd.s32 $0x16600, s4;
	s21 =	sshll.u32 s13, $0x7;
	s25 =	sshll.u32 s18, $0x7  }
0x1e: {  	s13 =	simm.s32 $0x40;
	s7 =	sadd.s32 s8, s7;
	s8 =	sshll.u32 s9, $0x7  }
0x1f: {  	s9 =	sshll.u32 s10, $0x7;
	s10 =	sshll.u32 s12, $0x7;
	s23 =	sadd.s32 s21, s1  }
0x20: {  	s25 =	sadd.s32 s25, s1;
	s28 =	sadd.s32 $0x2A00, s0;
	[dreg:$0xa] =	wrdreg s7  }
0x21: {  	s7 =	smax.u32 s5, $0x1;
	_ =	strace $0x8000004A;
	[dreg:$0xd] =	wrdreg s4  }
0x22: {  	s29 =	sadd.s32 $0xC800, s0;
	s3 =	sadd.s32 s8, s1;
	[dreg:$0xe] =	wrdreg s7  }
0x23: {  	s0 =	sadd.s32 $0x8000, s16;
	s12 =	sadd.s32 s9, s1;
	[dreg:$0xf] =	wrdreg s3  }
0x24: {  	s19 =	sadd.s32 s10, s1;
	s10 =	sadd.s32 $0x6000, s16;
	[dreg:$0x10] =	wrdreg s12  }
0x25: {  	s5 =	sadd.s32 $0xE000, s16;
	s8 =	simm.s32 $0x16100;
	[dreg:$0x11] =	wrdreg s19  }
0x26: {  	s9 =	simm.s32 $0x1;
	s3 =	sadd.s32 s20, s1;
	[dreg:$0x13] =	wrdreg s23  }
0x27: {  	s23 =	sadd.s32 s22, s1;
	s4 =	sadd.s32 $0xC000, s16;
	s7 =	sadd.s32 $0x12000, s16  }
0x28: {  	s12 =	simm.s32 $0x14080;
	[dreg:$0x12] =	wrdreg s3;
	s3 =	sadd.s32 $0xA000, s16  }
.LBB2_1:
0x29: {  	s18 =	rddreg [dreg:$0xd]  }
0x2a: {  	[tilespmem:s8], [sflag:$0x1] =	stream.linear.gather [hbm4b:s18+s2], $0x2000, $0x38;
	[tilespmem:$0x18100] =	vst v63  }
0x2b: {  	_ =	swait.ge [sflag:s9], $0x2000  }
0x2c: {  	[sflag:s9] =	ssyncset.done $0x0  }
0x2d: {  	[sflag:s9] =	ssyncadd.s32 $0xFFFFE000  }
0x2e: {  	[spmem:s16] =	stream.linear.scatter [tilespmem:s8], [sflag:$0x1], $0x2000, $0x38;
	[tilespmem:$0x18100] =	vst v63  }
0x2f: {  	_ =	swait.ge [sflag:s9], $0x2000  }
0x30: {  	[sflag:s9] =	ssyncset.done $0x0  }
0x31: {  	[sflag:s9] =	ssyncadd.s32 $0xFFFFE000  }
0x32: {  	[spmem:s30] =	stream.linear.scatter [tilespmem:s8], [sflag:$0x1], $0x2000, $0x38;
	[tilespmem:$0x18100] =	vst v63  }
0x33: {  	_ =	swait.ge [sflag:s9], $0x2000  }
0x34: {  	[sflag:s9] =	ssyncset.done $0x0  }
0x35: {  	[sflag:s9] =	ssyncadd.s32 $0xFFFFE000  }
0x36: {  	[spmem:s31] =	stream.linear.scatter [tilespmem:s8], [sflag:$0x1], $0x2000, $0x38;
	[tilespmem:$0x18100] =	vst v63  }
0x37: {  	_ =	swait.ge [sflag:s9], $0x2000  }
0x38: {  	[sflag:s9] =	ssyncset.done $0x0  }
0x39: {  	[sflag:s9] =	ssyncadd.s32 $0xFFFFE000  }
0x3a: {  	[spmem:s10] =	stream.linear.scatter [tilespmem:s8], [sflag:$0x1], $0x2000, $0x38;
	[tilespmem:$0x18100] =	vst v63  }
0x3b: {  	_ =	swait.ge [sflag:s9], $0x2000  }
0x3c: {  	[sflag:s9] =	ssyncset.done $0x0  }
0x3d: {  	[sflag:s9] =	ssyncadd.s32 $0xFFFFE000  }
0x3e: {  	[spmem:s0] =	stream.linear.scatter [tilespmem:s8], [sflag:$0x1], $0x2000, $0x38;
	[tilespmem:$0x18100] =	vst v63  }
0x3f: {  	_ =	swait.ge [sflag:s9], $0x2000  }
0x40: {  	[sflag:s9] =	ssyncset.done $0x0  }
0x41: {  	[sflag:s9] =	ssyncadd.s32 $0xFFFFE000  }
0x42: {  	[spmem:s3] =	stream.linear.scatter [tilespmem:s8], [sflag:$0x1], $0x2000, $0x38;
	[tilespmem:$0x18100] =	vst v63  }
0x43: {  	_ =	swait.ge [sflag:s9], $0x2000  }
0x44: {  	[sflag:s9] =	ssyncset.done $0x0  }
0x45: {  	[sflag:s9] =	ssyncadd.s32 $0xFFFFE000  }
0x46: {  	[spmem:s4] =	stream.linear.scatter [tilespmem:s8], [sflag:$0x1], $0x2000, $0x38;
	[tilespmem:$0x18100] =	vst v63  }
0x47: {  	_ =	swait.ge [sflag:s9], $0x2000  }
0x48: {  	[sflag:s9] =	ssyncset.done $0x0  }
0x49: {  	[sflag:s9] =	ssyncadd.s32 $0xFFFFE000  }
0x4a: {  	[spmem:s5] =	stream.linear.scatter [tilespmem:s8], [sflag:$0x1], $0x2000, $0x38;
	[tilespmem:$0x18100] =	vst v63  }
0x4b: {  	_ =	swait.ge [sflag:s9], $0x2000  }
0x4c: {  	[sflag:s9] =	ssyncset.done $0x0  }
0x4d: {  	[sflag:s9] =	ssyncadd.s32 $0xFFFFE000  }
0x4e: {  	[spmem:s6] =	stream.linear.scatter [tilespmem:s8], [sflag:$0x1], $0x2000, $0x38;
	[tilespmem:$0x18100] =	vst v63  }
0x4f: {  	_ =	swait.ge [sflag:s9], $0x2000  }
0x50: {  	[sflag:s9] =	ssyncset.done $0x0  }
0x51: {  	[sflag:s9] =	ssyncadd.s32 $0xFFFFE000  }
0x52: {  	[spmem:s7] =	stream.linear.scatter [tilespmem:s8], [sflag:$0x1], $0x2000, $0x38;
	[tilespmem:$0x18100] =	vst v63  }
0x53: {  	_ =	swait.ge [sflag:s9], $0x2000  }
0x54: {  	[sflag:s9] =	ssyncset.done $0x0  }
0x55: {  	[sflag:s9] =	ssyncadd.s32 $0xFFFFE000  }
0x56: {  	s21 =	sadd.s32 $0x0, s29;
	[bflag:$0x0] =	sbarrier.arrive $0xFFFF  }
0x57: {  	[tilespmem:s11], [sflag:$0x1] =	stream.linear.gather [hbm4b:s21+s2], $0x40, $0x38;
	[tilespmem:$0x18100] =	vst v63  }
0x58: {  	_ =	swait.ge [sflag:s9], $0x40  }
0x59: {  	[sflag:s9] =	ssyncset.done $0x0  }
0x5a: {  	s22 =	sadd.s32 $0x0, s28;
	[sflag:s9] =	ssyncadd.s32 $0xFFFFFFC0  }
0x5b: {  	[tilespmem:s12], [sflag:$0x1] =	stream.linear.gather [hbm4b:s22+s2], $0x40, $0x38;
	[tilespmem:$0x18100] =	vst v63  }
0x5c: {  	_ =	swait.ge [sflag:s9], $0x40  }
0x5d: {  	[sflag:s9] =	ssyncset.done $0x0  }
0x5e: {  	[sflag:s9] =	ssyncadd.s32 $0xFFFFFFC0  }
0x5f: {  	[tilespmem:s15], [sflag:$0x1] =	stream.indirect.gather [hbm4b:s14+s13], $0x80, s11, s13, $0xb8;
	[tilespmem:$0x18100] =	vst v63  }
0x60: {  	_ =	swait.ge [sflag:s9], $0x2000  }
0x61: {  	[sflag:s9] =	ssyncset.done $0x0  }
0x62: {  	[sflag:s9] =	ssyncadd.s32 $0xFFFFE000  }
0x63: {  	[spmem:s1] =	stream.indirect.scatter.add.f32 [tilespmem:s15], [sflag:$0x1], $0x80, s12, s13, $0xb8;
	[tilespmem:$0x18100] =	vst v63  }
0x64: {  	_ =	swait.ge [sflag:s9], $0x2000  }
0x65: {  	s19 =	simm.s32 $0x10;
	s18 =	simm.s32 $0x8;
	[sflag:s9] =	ssyncset.done $0x0  }
.LBB2_2:
0x66: {  	s20 =	sadd.s32 s18, s29  }
0x67: {  	[sflag:s9] =	ssyncadd.s32 $0xFFFFE000;
	s21 =	smov.u32 s19;
	s22 =	sadd.s32 $0x8, s19  }
0x68: {  	[tilespmem:s11], [sflag:$0x1] =	stream.linear.gather [hbm4b:s20+s2], $0x40, $0x38;
	[tilespmem:$0x18100] =	vst v63  }
0x69: {  	p0 =	sne.s32 s19, $0x4E0;
	_ =	swait.ge [sflag:s9], $0x40  }
0x6a: {  	[sflag:s9] =	ssyncset.done $0x0  }
0x6b: {  	s19 =	sadd.s32 s18, s28;
	s18 =	smov.u32 s21;
	[sflag:s9] =	ssyncadd.s32 $0xFFFFFFC0  }
0x6c: {  	[tilespmem:s12], [sflag:$0x1] =	stream.linear.gather [hbm4b:s19+s2], $0x40, $0x38;
	[tilespmem:$0x18100] =	vst v63  }
0x6d: {  	_ =	swait.ge [sflag:s9], $0x40  }
0x6e: {  	[sflag:s9] =	ssyncset.done $0x0  }
0x6f: {  	[sflag:s9] =	ssyncadd.s32 $0xFFFFFFC0  }
0x70: {  	[tilespmem:s15], [sflag:$0x1] =	stream.indirect.gather [hbm4b:s14+s13], $0x80, s11, s13, $0xb8;
	[tilespmem:$0x18100] =	vst v63  }
0x71: {  	_ =	swait.ge [sflag:s9], $0x2000  }
.Ltmp0:
0x72: {  	[sflag:s9] =	ssyncset.done $0x0;
	(pc) =	sbr.rel @p0 .LBB2_2-.Ltmp0, $4  }
0x73: {  	[sflag:s9] =	ssyncadd.s32 $0xFFFFE000  }
0x74: {  	[spmem:s1] =	stream.indirect.scatter.add.f32 [tilespmem:s15], [sflag:$0x1], $0x80, s12, s13, $0xb8;
	[tilespmem:$0x18100] =	vst v63  }
0x75: {  	_ =	swait.ge [sflag:s9], $0x2000  }
0x76: {  	s19 =	smov.u32 s22;
	[sflag:s9] =	ssyncset.done $0x0  }
0x77: {  	s19 =	sadd.s32 s18, s29;
	[sflag:s9] =	ssyncadd.s32 $0xFFFFE000  }
0x78: {  	[tilespmem:s11], [sflag:$0x1] =	stream.linear.gather [hbm4b:s19+s2], $0x40, $0x38;
	[tilespmem:$0x18100] =	vst v63  }
0x79: {  	_ =	swait.ge [sflag:s9], $0x40  }
0x7a: {  	[sflag:s9] =	ssyncset.done $0x0  }
0x7b: {  	s22 =	sadd.s32 s18, s28;
	[sflag:s9] =	ssyncadd.s32 $0xFFFFFFC0  }
0x7c: {  	[tilespmem:s12], [sflag:$0x1] =	stream.linear.gather [hbm4b:s22+s2], $0x40, $0x38;
	[tilespmem:$0x18100] =	vst v63  }
0x7d: {  	_ =	swait.ge [sflag:s9], $0x40  }
0x7e: {  	[sflag:s9] =	ssyncset.done $0x0  }
0x7f: {  	[sflag:s9] =	ssyncadd.s32 $0xFFFFFFC0  }
0x80: {  	[tilespmem:s15], [sflag:$0x1] =	stream.indirect.gather [hbm4b:s14+s13], $0x80, s11, s13, $0xb8;
	[tilespmem:$0x18100] =	vst v63  }
0x81: {  	_ =	swait.ge [sflag:s9], $0x2000  }
0x82: {  	[sflag:s9] =	ssyncset.done $0x0  }
0x83: {  	[sflag:s9] =	ssyncadd.s32 $0xFFFFE000  }
0x84: {  	[spmem:s1] =	stream.indirect.scatter.add.f32 [tilespmem:s15], [sflag:$0x1], $0x80, s12, s13, $0xb8;
	[tilespmem:$0x18100] =	vst v63  }
0x85: {  	_ =	swait.ge [sflag:s9], $0x2000  }
0x86: {  	[sflag:s9] =	ssyncset.done $0x0  }
0x87: {  	[sflag:s9] =	ssyncadd.s32 $0xFFFFE000  }
0x88: {  	[bflag:$0x0] =	sbarrier.arrive $0xFFFF  }
0x89: {  	[tilespmem:s8], [sflag:$0x1] =	stream.linear.gather [spmem:s16], $0x2000, $0x38;
	[tilespmem:$0x18100] =	vst v63  }
0x8a: {  	_ =	swait.ge [sflag:s9], $0x2000  }
0x8b: {  	[sflag:s9] =	ssyncset.done $0x0  }
0x8c: {  	s19 =	rddreg [dreg:$0x3];
	[sflag:s9] =	ssyncadd.s32 $0xFFFFE000  }
0x8d: {  	[hbm4b:s19+s2] =	stream.linear.scatter [tilespmem:s8], [sflag:$0x1], $0x2000, $0x38;
	[tilespmem:$0x18100] =	vst v63  }
0x8e: {  	_ =	swait.ge [sflag:s9], $0x2000  }
0x8f: {  	[sflag:s9] =	ssyncset.done $0x0  }
0x90: {  	s20 =	rddreg [dreg:$0xf];
	[sflag:s9] =	ssyncadd.s32 $0xFFFFE000  }
0x91: {  	[tilespmem:s8], [sflag:$0x1] =	stream.linear.gather [spmem:s20], $0x2000, $0x38;
	[tilespmem:$0x18100] =	vst v63  }
0x92: {  	_ =	swait.ge [sflag:s9], $0x2000  }
0x93: {  	[sflag:s9] =	ssyncset.done $0x0  }
0x94: {  	s21 =	rddreg [dreg:$0x4];
	[sflag:s9] =	ssyncadd.s32 $0xFFFFE000  }
0x95: {  	[hbm4b:s21+s2] =	stream.linear.scatter [tilespmem:s8], [sflag:$0x1], $0x2000, $0x38;
	[tilespmem:$0x18100] =	vst v63  }
0x96: {  	_ =	swait.ge [sflag:s9], $0x2000  }
0x97: {  	[sflag:s9] =	ssyncset.done $0x0  }
0x98: {  	s22 =	rddreg [dreg:$0x10];
	[sflag:s9] =	ssyncadd.s32 $0xFFFFE000  }
0x99: {  	[tilespmem:s8], [sflag:$0x1] =	stream.linear.gather [spmem:s22], $0x2000, $0x38;
	[tilespmem:$0x18100] =	vst v63  }
0x9a: {  	_ =	swait.ge [sflag:s9], $0x2000  }
0x9b: {  	[sflag:s9] =	ssyncset.done $0x0  }
0x9c: {  	s19 =	rddreg [dreg:$0x5];
	[sflag:s9] =	ssyncadd.s32 $0xFFFFE000  }
0x9d: {  	[hbm4b:s19+s2] =	stream.linear.scatter [tilespmem:s8], [sflag:$0x1], $0x2000, $0x38;
	[tilespmem:$0x18100] =	vst v63  }
0x9e: {  	_ =	swait.ge [sflag:s9], $0x2000  }
0x9f: {  	[sflag:s9] =	ssyncset.done $0x0  }
0xa0: {  	s20 =	rddreg [dreg:$0x11];
	[sflag:s9] =	ssyncadd.s32 $0xFFFFE000  }
0xa1: {  	[tilespmem:s8], [sflag:$0x1] =	stream.linear.gather [spmem:s20], $0x2000, $0x38;
	[tilespmem:$0x18100] =	vst v63  }
0xa2: {  	_ =	swait.ge [sflag:s9], $0x2000  }
0xa3: {  	[sflag:s9] =	ssyncset.done $0x0  }
0xa4: {  	s21 =	rddreg [dreg:$0x6];
	[sflag:s9] =	ssyncadd.s32 $0xFFFFE000  }
0xa5: {  	[hbm4b:s21+s2] =	stream.linear.scatter [tilespmem:s8], [sflag:$0x1], $0x2000, $0x38;
	[tilespmem:$0x18100] =	vst v63  }
0xa6: {  	_ =	swait.ge [sflag:s9], $0x2000  }
0xa7: {  	[sflag:s9] =	ssyncset.done $0x0  }
0xa8: {  	s22 =	rddreg [dreg:$0x12];
	[sflag:s9] =	ssyncadd.s32 $0xFFFFE000  }
0xa9: {  	[tilespmem:s8], [sflag:$0x1] =	stream.linear.gather [spmem:s22], $0x2000, $0x38;
	[tilespmem:$0x18100] =	vst v63  }
0xaa: {  	_ =	swait.ge [sflag:s9], $0x2000  }
0xab: {  	[sflag:s9] =	ssyncset.done $0x0  }
0xac: {  	s19 =	rddreg [dreg:$0x7];
	[sflag:s9] =	ssyncadd.s32 $0xFFFFE000  }
0xad: {  	[hbm4b:s19+s2] =	stream.linear.scatter [tilespmem:s8], [sflag:$0x1], $0x2000, $0x38;
	[tilespmem:$0x18100] =	vst v63  }
0xae: {  	_ =	swait.ge [sflag:s9], $0x2000  }
0xaf: {  	[sflag:s9] =	ssyncset.done $0x0  }
0xb0: {  	s20 =	rddreg [dreg:$0x13];
	[sflag:s9] =	ssyncadd.s32 $0xFFFFE000  }
0xb1: {  	[tilespmem:s8], [sflag:$0x1] =	stream.linear.gather [spmem:s20], $0x2000, $0x38;
	[tilespmem:$0x18100] =	vst v63  }
0xb2: {  	_ =	swait.ge [sflag:s9], $0x2000  }
0xb3: {  	[sflag:s9] =	ssyncset.done $0x0  }
0xb4: {  	s21 =	rddreg [dreg:$0x8];
	[sflag:s9] =	ssyncadd.s32 $0xFFFFE000  }
0xb5: {  	[hbm4b:s21+s2] =	stream.linear.scatter [tilespmem:s8], [sflag:$0x1], $0x2000, $0x38;
	[tilespmem:$0x18100] =	vst v63  }
0xb6: {  	_ =	swait.ge [sflag:s9], $0x2000  }
0xb7: {  	[sflag:s9] =	ssyncset.done $0x0  }
0xb8: {  	[sflag:s9] =	ssyncadd.s32 $0xFFFFE000  }
0xb9: {  	[tilespmem:s8], [sflag:$0x1] =	stream.linear.gather [spmem:s23], $0x2000, $0x38;
	[tilespmem:$0x18100] =	vst v63  }
0xba: {  	_ =	swait.ge [sflag:s9], $0x2000  }
0xbb: {  	[sflag:s9] =	ssyncset.done $0x0  }
0xbc: {  	s22 =	rddreg [dreg:$0x9];
	[sflag:s9] =	ssyncadd.s32 $0xFFFFE000  }
0xbd: {  	[hbm4b:s22+s2] =	stream.linear.scatter [tilespmem:s8], [sflag:$0x1], $0x2000, $0x38;
	[tilespmem:$0x18100] =	vst v63  }
0xbe: {  	_ =	swait.ge [sflag:s9], $0x2000  }
0xbf: {  	[sflag:s9] =	ssyncset.done $0x0  }
0xc0: {  	[sflag:s9] =	ssyncadd.s32 $0xFFFFE000  }
0xc1: {  	[tilespmem:s8], [sflag:$0x1] =	stream.linear.gather [spmem:s24], $0x2000, $0x38;
	[tilespmem:$0x18100] =	vst v63  }
0xc2: {  	_ =	swait.ge [sflag:s9], $0x2000  }
0xc3: {  	[sflag:s9] =	ssyncset.done $0x0  }
0xc4: {  	s19 =	rddreg [dreg:$0xa];
	[sflag:s9] =	ssyncadd.s32 $0xFFFFE000  }
0xc5: {  	[hbm4b:s19+s2] =	stream.linear.scatter [tilespmem:s8], [sflag:$0x1], $0x2000, $0x38;
	[tilespmem:$0x18100] =	vst v63  }
0xc6: {  	_ =	swait.ge [sflag:s9], $0x2000  }
0xc7: {  	[sflag:s9] =	ssyncset.done $0x0  }
0xc8: {  	[sflag:s9] =	ssyncadd.s32 $0xFFFFE000  }
0xc9: {  	[tilespmem:s8], [sflag:$0x1] =	stream.linear.gather [spmem:s25], $0x2000, $0x38;
	[tilespmem:$0x18100] =	vst v63  }
0xca: {  	_ =	swait.ge [sflag:s9], $0x2000  }
0xcb: {  	[sflag:s9] =	ssyncset.done $0x0  }
0xcc: {  	s20 =	rddreg [dreg:$0xb];
	[sflag:s9] =	ssyncadd.s32 $0xFFFFE000  }
0xcd: {  	[hbm4b:s20+s2] =	stream.linear.scatter [tilespmem:s8], [sflag:$0x1], $0x2000, $0x38;
	[tilespmem:$0x18100] =	vst v63  }
0xce: {  	_ =	swait.ge [sflag:s9], $0x2000  }
0xcf: {  	[sflag:s9] =	ssyncset.done $0x0  }
0xd0: {  	[sflag:s9] =	ssyncadd.s32 $0xFFFFE000  }
0xd1: {  	[tilespmem:s8], [sflag:$0x1] =	stream.linear.gather [spmem:s26], $0x2000, $0x38;
	[tilespmem:$0x18100] =	vst v63  }
0xd2: {  	_ =	swait.ge [sflag:s9], $0x2000  }
0xd3: {  	[sflag:s9] =	ssyncset.done $0x0  }
0xd4: {  	s21 =	rddreg [dreg:$0xc];
	[sflag:s9] =	ssyncadd.s32 $0xFFFFE000  }
0xd5: {  	[hbm4b:s21+s2] =	stream.linear.scatter [tilespmem:s8], [sflag:$0x1], $0x2000, $0x38;
	[tilespmem:$0x18100] =	vst v63  }
0xd6: {  	_ =	swait.ge [sflag:s9], $0x2000  }
0xd7: {  	s17 =	sadd.s32 $0x1, s17;
	s22 =	rddreg [dreg:$0xe]  }
0xd8: {  	p0 =	sne.s32 s17, s22  }
.Ltmp1:
0xd9: {  	_ = 	snop;
	(pc) =	sbr.rel @p0 .LBB2_1-.Ltmp1, $3  }
0xda: {  	_ =	sdelay $0x1  }
0xdb: {  	[sflag:s9] =	ssyncset.done $0x0  }
0xdc: {  	[sflag:s9] =	ssyncadd.s32 $0xFFFFE000  }
0xdd: {  	_ =	sfence.sel $0x180000  }
0xde: {  	[bflag:$0x0] =	sbarrier.arrive $0xFFFF  }
0xdf: {  	_ =	strace $0x9000004A  }
0xe0: {  	s0 =	stileid.u32;
	[bflag:$0x2] =	sbarrier.arrive $0xFFFF  }
0xe1: {  	p0 =	sne.s32 s0, $0x0;
	s0 =	rddreg [dreg:$0x2]  }
0xe2: {  	s0 =	sadd.s32 @!p0 $0x100000, s0  }
0xe3: {  	[sflag:s0] =	ssyncadd.tile.s32 @!p0 $0x1;
	_ =	shalt  }
.Lfunc_end2:
_tile_overlayer_lowered:
.L_overlay_start_2:
0xe4: {  	(tag) =	ssettag $0x2  }
0xe5: {  	s0 =	rddreg [dreg:$0x0];
	s2 =	stileid.u32  }
0xe6: {  	s1 =	rddreg [dreg:$0x1];
	p0 =	sne.s32 s2, $0x0  }
0xe7: {  	s3 =	rddreg [dreg:$0x2];
	[bflag:$0x3] =	sbarrier.arrive $0xFFFF;
	s2 =	simm.s32 @!p0 $0x1C01  }
0xe8: {  	[timem:s3], [sflag:s2] =	dma.local @!p0 [hbm:s0], s1  }
0xe9: {  	s0 =	simm.s32 @!p0 $0x1  }
0xea: {  	_ =	swait.ge @!p0 [sflag:s0], s1  }
0xeb: {  	s1 =	ssub.s32 @!p0 $0x0, s1;
	[sflag:s0] =	ssyncset.done @!p0 $0x0  }
0xec: {  	[sflag:s0] =	ssyncadd.s32 @!p0 s1  }
0xed: {  	[bflag:$0x3] =	sbarrier.arrive $0xFFFF  }
0xee: {  	_ =	shalt  }

// kernel: kernel.8.cloned.1.call-start
scs
__scs_entry_jumppad:
0x0: {  	(pc) =	sbr.rel $0x88, $3  }
0x1: {  	(tag) =	ssettag $0x0;
	lr =	simm.s32 $0x1  }
0x2: {  	[smem:$0x3F95] =	sst lr;
	_ =	strace $0xD0000000  }
0x3: {  	_ = 	snop  }
0x4: {  	_ = 	snop  }
0x5: {  	_ = 	snop  }
0x6: {  	_ = 	snop  }
0x7: {  	_ = 	snop  }
__scs_overlays_trampoline_lowered:
0x8: {  	[smem:$0x3FA4] =	sst s0  }
0x9: {  	[smem:$0x3FA5] =	sst s1  }
0xa: {  	[smem:$0x3FA6] =	sst s2  }
0xb: {  	[smem:$0x3FA7] =	sst s3  }
0xc: {  	[smem:$0x3FA8] =	sst s4  }
0xd: {  	[smem:$0x3FA9] =	sst s5  }
0xe: {  	[smem:$0x3FAA] =	sst s6  }
0xf: {  	[smem:$0x3FAB] =	sst s7  }
0x10: {  	[smem:$0x3FAC] =	sst s8  }
0x11: {  	[smem:$0x3FAD] =	sst s9;
	s0 =	simm.s32 @!p0 $0x0  }
0x12: {  	s1 =	sld [smem:$0x3F93];
	s0 =	simm.s32 @p0 $0x1  }
0x13: {  	[smem:$0x3FAE] =	sst s0;
	s0 =	simm.s32 @!p1 $0x0  }
0x14: {  	s2 =	sld [smem:$0x3F92];
	s0 =	simm.s32 @p1 $0x1  }
0x15: {  	[smem:$0x3FAF] =	sst s0;
	s0 =	simm.s32 @!p2 $0x0  }
0x16: {  	s3 =	sld [smem:$0x3FDB];
	s0 =	simm.s32 @p2 $0x1  }
0x17: {  	s4 =	simm.s32 $0x1BF5;
	[smem:$0x3FB1] =	sst s0  }
0x18: {  	s0 =	sld [smem:$0x3F94];
	_ =	swait.ge [sflag:s4], $0x0  }
0x19: {  	s7 =	sld [smem:$0x3F95]  }
0x1a: {  	s8 =	sadd.s32 $0xFFFFE003, lr  }
0x1b: {  	s9 =	sadd.s32 $0xFFFFFEF7, lr;
	s5 =	simm.s32 $0xFFFFFFFF;
	p2 =	slt.u32 s8, $0xFFFFF086  }
0x1c: {  	p1 =	slt.u32 s9, $0xF7A;
	s5 =	simm.s32 @!p2 $0x0  }
0x1d: {  	s5 =	simm.s32 @p1 $0x1;
	p0 =	seq.s32 s7, s2  }
0x1e: {  	s7 =	smul.u32 @!p0 $0xF7A, s2;
	p2 =	seq.s32 @!p0 s5, $0x0  }
0x1f: {  	s9 =	smul.u32 $0xF7A, s1;
	s8 =	simm.s32 @!p0 $0x1BF5;
	p2 =	por !p2, p0  }
0x20: {  	[sflag:s8] =	ssyncset.s32 @!p0 $0xFFFFF086;
	s6 =	sadd.s32 @!p0 s3, s7;
	s7 =	simm.s32 @!p0 $0x108  }
0x21: {  	s3 =	sadd.s32 s3, s9;
	s6 =	sadd.s32 @!p0 $0x88, s6;
	s7 =	simm.s32 @p2 $0x1082  }
0x22: {  	[simem:s7], [sflag:s8] =	dma.local @!p0 [hbm:s6], $0xF7A  }
0x23: {  	s9 =	sor.u32 $0xD0000000, s2;
	s6 =	simm.s32 $0x108;
	_ =	swait.ge @!p0 [sflag:s8], $0x0  }
0x24: {  	s3 =	sadd.s32 $0x88, s3;
	s6 =	simm.s32 @!p1 $0x1082;
	[sflag:s4] =	ssyncset.s32 $0xFFFFF086  }
0x25: {  	[simem:s6], [sflag:s4] =	dma.local [hbm:s3], $0xF7A  }
0x26: {  	[smem:$0x3F95] =	sst s1;
	(tag) =	ssettag s2;
	_ =	strace s9  }
0x27: {  	s1 =	sld [smem:$0x3FA5]  }
0x28: {  	s2 =	sld [smem:$0x3FA6]  }
0x29: {  	s4 =	sld [smem:$0x3FA8]  }
0x2a: {  	p0 =	seq.s32 s5, $0x0;
	s5 =	sld [smem:$0x3FA9]  }
0x2b: {  	s6 =	sld [smem:$0x3FAA]  }
0x2c: {  	s7 =	sld [smem:$0x3FAB]  }
0x2d: {  	s3 =	simm.s32 $0x108;
	s8 =	sld [smem:$0x3FAC]  }
0x2e: {  	s3 =	simm.s32 @!p0 $0x1082;
	s9 =	sld [smem:$0x3FAD]  }
0x2f: {  	lr =	sadd.s32 s0, s3;
	s0 =	sld [smem:$0x3FA4]  }
0x30: {  	s3 =	sld [smem:$0x3FA7]  }
0x31: {  	[smem:$0x3FB0] =	sst s10  }
0x32: {  	s10 =	sld [smem:$0x3FAE];
	_ =	sdelay $0x3  }
0x33: {  	p0 =	seq.s32 s10, $0x1;
	s10 =	sld [smem:$0x3FB0];
	_ =	sdelay $0x3  }
0x34: {  	[smem:$0x3FB0] =	sst s10  }
0x35: {  	s10 =	sld [smem:$0x3FAF];
	_ =	sdelay $0x3  }
0x36: {  	p1 =	seq.s32 s10, $0x1;
	s10 =	sld [smem:$0x3FB0];
	_ =	sdelay $0x3  }
0x37: {  	[smem:$0x3FB0] =	sst s10  }
0x38: {  	s10 =	sld [smem:$0x3FB1]  }
0x39: {  	_ = 	snop;
	(pc) =	sbr.ind lr, $3  }
0x3a: {  	_ = 	snop  }
0x3b: {  	_ = 	snop  }
0x3c: {  	p2 =	seq.s32 s10, $0x1;
	s10 =	sld [smem:$0x3FB0]  }
0x3d: {  	_ =	shalt  }
0x3e: {  	_ =	shalt  }
0x3f: {  	_ =	shalt  }
0x40: {  	_ =	shalt  }
0x41: {  	_ =	shalt  }
0x42: {  	_ =	shalt  }
0x43: {  	_ =	shalt  }
0x44: {  	_ =	shalt  }
0x45: {  	_ =	shalt  }
0x46: {  	_ =	shalt  }
0x47: {  	_ =	shalt  }
0x48: {  	_ =	shalt  }
0x49: {  	_ =	shalt  }
0x4a: {  	_ =	shalt  }
0x4b: {  	_ =	shalt  }
0x4c: {  	_ =	shalt  }
0x4d: {  	_ =	shalt  }
0x4e: {  	_ =	shalt  }
0x4f: {  	_ =	shalt  }
0x50: {  	_ =	shalt  }
0x51: {  	_ =	shalt  }
0x52: {  	_ =	shalt  }
0x53: {  	_ =	shalt  }
0x54: {  	_ =	shalt  }
0x55: {  	_ =	shalt  }
0x56: {  	_ =	shalt  }
0x57: {  	_ =	shalt  }
0x58: {  	_ =	shalt  }
0x59: {  	_ =	shalt  }
0x5a: {  	_ =	shalt  }
0x5b: {  	_ =	shalt  }
0x5c: {  	_ =	shalt  }
0x5d: {  	_ =	shalt  }
0x5e: {  	_ =	shalt  }
0x5f: {  	_ =	shalt  }
0x60: {  	_ =	shalt  }
0x61: {  	_ =	shalt  }
0x62: {  	_ =	shalt  }
0x63: {  	_ =	shalt  }
0x64: {  	_ =	shalt  }
0x65: {  	_ =	shalt  }
0x66: {  	_ =	shalt  }
0x67: {  	_ =	shalt  }
0x68: {  	_ =	shalt  }
0x69: {  	_ =	shalt  }
0x6a: {  	_ =	shalt  }
0x6b: {  	_ =	shalt  }
0x6c: {  	_ =	shalt  }
0x6d: {  	_ =	shalt  }
0x6e: {  	_ =	shalt  }
0x6f: {  	_ =	shalt  }
0x70: {  	_ =	shalt  }
0x71: {  	_ =	shalt  }
0x72: {  	_ =	shalt  }
0x73: {  	_ =	shalt  }
0x74: {  	_ =	shalt  }
0x75: {  	_ =	shalt  }
0x76: {  	_ =	shalt  }
0x77: {  	_ =	shalt  }
0x78: {  	_ =	shalt  }
0x79: {  	_ =	shalt  }
0x7a: {  	_ =	shalt  }
0x7b: {  	_ =	shalt  }
0x7c: {  	_ =	shalt  }
0x7d: {  	_ =	shalt  }
0x7e: {  	_ =	shalt  }
0x7f: {  	_ =	shalt  }
0x80: {  	_ =	shalt  }
0x81: {  	_ =	shalt  }
0x82: {  	_ =	shalt  }
0x83: {  	_ =	shalt  }
0x84: {  	_ =	shalt  }
0x85: {  	_ =	shalt  }
0x86: {  	_ =	shalt  }
0x87: {  	_ =	shalt  }
.Lfunc_end0:
.L_simem_size_0:
called_computation_lowered:
.L_overlay_start_0:
0x88: {  	s2 =	sld [smem:$0x3FD9]  }
0x89: {  	s3 =	sld [smem:$0x3FFE];
	_ =	sdelay $0x1  }
0x8a: {  	s1 =	srdreg.scid  }
0x8b: {  	s0 =	sand.u32 $0x1, s1  }
0x8c: {  	s17 =	sshll.u32 s0, $0xA;
	s2 =	sadd.s32 s3, s2  }
0x8d: {  	s2 =	sadd.s32 s2, s17  }
0x8e: {  	[smem:$0x3FBC] =	sst s2  }
0x8f: {  	_ = 	snop  }
0x90: {  	s2 =	sld [smem:$0x3FC9]  }
0x91: {  	s18 =	sld [smem:$0x3FD0];
	(tm) =	ssettm $0x1  }
0x92: {  	s4 =	sld [smem:$0x3FFB];
	_ =	sdelay $0x3  }
0x93: {  	_ =	strace s4  }
0x94: {  	s4 =	sld [smem:$0x3FFC];
	_ =	sdelay $0x3  }
0x95: {  	_ =	strace s4  }
0x96: {  	s4 =	sld [smem:$0x3FFD];
	_ =	sdelay $0x3  }
0x97: {  	_ =	strace s4  }
0x98: {  	_ =	strace $0x8FFFFFFF  }
0x99: {  	s19 =	sld [smem:$0x3FDB];
	_ =	sdelay $0x1  }
0x9a: {  	s5 =	simm.s32 $_scs_section_size  }
0x9b: {  	s6 =	simm.s32 $_size__tile_overlayer_lowered;
	s7 =	simm.s32 $_tile_overlayer_lowered  }
0x9c: {  	s22 =	simm.s32 $0x1BFF;
	s21 =	sshll.u32 s7, $0x1;
	s4 =	sadd.s32 s5, s19  }
0x9d: {  	s8 =	simm.s32 $0x0;
	s20 =	sshll.u32 s6, $0x1;
	s6 =	sadd.s32 s21, s4  }
0x9e: {  	[timem:s8], [sflag:s22] =	dma.local [hbm:s6], s20  }
0x9f: {  	_ =	swait.ge [sflag:s22], s20  }
0xa0: {  	s5 =	ssub.s32 $0x0, s20;
	[sflag:s22] =	ssyncset.done $0x0  }
0xa1: {  	[sflag:s22] =	ssyncadd.s32 s5;
	_ =	sdelay $0x1  }
0xa2: {  	s23 =	simm.s32 $0x1B8B  }
0xa3: {  	_ =	swait.ge [sflag:s23], $0x1  }
0xa4: {  	[sflag:s23] =	ssyncset.done $0x0  }
0xa5: {  	s25 =	simm.s32 $0x1B8E;
	s24 =	sld [smem:$0x3FFE];
	[sflag:s23] =	ssyncadd.s32 $0xFFFFFFFF  }
0xa6: {  	s26 =	simm.s32 $execute0_lowered;
	[smem:$0x3FD2] =	sst s25  }
0xa7: {  	s6 =	sshll.u32 s26, $0x1;
	_ =	strace $0x80000046;
	[dreg:$0x1] =	wrdreg $0xFFFFFFFF  }
0xa8: {  	s28 =	simm.s32 $_size_execute0_lowered;
	s4 =	sadd.s32 s4, s6;
	[dreg:$0x0] =	wrdreg $0x0  }
0xa9: {  	s6 =	sshll.u32 s28, $0x1;
	[dreg:$0x2] =	wrdreg s4  }
0xaa: {  	[dreg:$0x3] =	wrdreg s6  }
0xab: {  	[dreg:$0x4] =	wrdreg $0xC0  }
0xac: {  	_ =	task [dreg:s8], $0x5FFFF  }
0xad: {  	[dreg:$0x1] =	wrdreg $0xFFFFFFFF  }
0xae: {  	[dreg:$0x0] =	wrdreg $0x60  }
0xaf: {  	[dreg:$0x2] =	wrdreg s2  }
0xb0: {  	[dreg:$0x3] =	wrdreg s24  }
0xb1: {  	[dreg:$0x4] =	wrdreg s18  }
0xb2: {  	[dreg:$0x5] =	wrdreg $0x0  }
0xb3: {  	[dreg:$0x6] =	wrdreg $0x9  }
0xb4: {  	_ =	task.clear_ibuf [dreg:s8], $0x7FFFF;
	_ =	strace $0x90000046  }
0xb5: {  	s29 =	simm.s32 $0x9;
	_ =	strace $0x80000048  }
0xb6: {  	_ =	swait.ge [sflag:s29], $0x1  }
0xb7: {  	[sflag:s29] =	ssyncadd.s32 $0xFFFFFFFF  }
0xb8: {  	_ =	strace $0x90000048  }
0xb9: {  	_ =	sfence  }
0xba: {  	s30 =	sld [smem:$0x0];
	_ =	sdelay $0x2  }
0xbb: {  	s31 =	sshll.u32 s1, $0xD;
	s1 =	sshrl.u32 s1, $0x2  }
0xbc: {  	s3 =	sand.u32 $0x4000, s31;
	s1 =	sadd.s32 s1, s30  }
0xbd: {  	s0 =	sor.u32 s3, s0;
	s1 =	sshll.u32 s1, $0x11  }
0xbe: {  	s0 =	sor.u32 s1, s0  }
0xbf: {  	s0 =	sadd.s32 $0x8F2B, s0  }
0xc0: {  	[sflag:s0] =	ssyncadd.remote.s32 $0x1  }
0xc1: {  	_ =	sfence.sel $0xFFFF  }
0xc2: {  	[dreg:$0x0] =	wrdreg $0xFFFFFFFF;
	(pc) =	sbr.abs _section_cstart, $3  }
0xc3: {  	[dreg:$0x1] =	wrdreg $0xFFFFFFFF  }
0xc4: {  	_ =	task.clear_ibuf [dreg:s8], $0x2FFFF;
	_ =	strace $0x9FFFFFFF  }
0xc5: {  	(tm) =	ssettm $0x7FFFFFFF  }
tec
execute0_lowered:
.L_overlay_start_1:
0x0: {  	(tag) =	ssettag $0x1  }
0x1: {  	s0 =	srdreg.scid;
	s18 =	stileid.u32  }
0x2: {  	s6 =	rddreg [dreg:$0x2];
	s1 =	simm.s32 $0x0;
	s4 =	smul.u32 $0x2740, s18  }
0x3: {  	s2 =	sand.u32 $0x1, s0;
	s0 =	rddreg [dreg:$0x1];
	s9 =	smul.u32 $0x280, s18  }
0x4: {  	[smem:$0x7FF] =	sst s1;
	s23 =	smul.u32 $0x50000, s18;
	s5 =	sshll.u32 s2, $0x4  }
0x5: {  	s7 =	sshll.u32 s18, $0x7;
	s3 =	smul.u32 $0x27400, s2;
	s5 =	sor.u32 s18, s5  }
0x6: {  	s8 =	ssub.s32 $0x2, s2;
	s2 =	smul.u32 $0x2800, s2;
	s25 =	sshrl.u32 s5, $0x3  }
0x7: {  	s26 =	sadd.s32 $0x17000, s0;
	s3 =	sadd.s32 s4, s3;
	s4 =	smul.u32 $0x14000, s25  }
0x8: {  	s7 =	sand.u32 $0x380, s7;
	s10 =	sshrl.u32 s8, $0x1;
	s11 =	sadd.s32 s2, s9  }
0x9: {  	s24 =	sshrl.u32 s3, $0x3;
	s25 =	sshrl.u32 s23, $0x2;
	s4 =	sor.u32 s7, s4  }
0xa: {  	s7 =	ssub.s32 s8, s10;
	s8 =	sor.u32 $0x40, s9;
	s10 =	sadd.s32 $0x80, s9  }
0xb: {  	s4 =	sshrl.u32 s4, $0x3;
	s12 =	sadd.s32 s2, s8;
	s14 =	sadd.s32 s2, s10  }
0xc: {  	s3 =	smax.u32 s7, $0x1;
	s5 =	sshll.u32 s10, $0x7;
	s4 =	sadd.s32 s6, s4  }
0xd: {  	s6 =	sshll.u32 s12, $0x4;
	[dreg:$0x5] =	wrdreg s4;
	s4 =	sshll.u32 s11, $0x4  }
0xe: {  	s13 =	sadd.s32 s26, s6;
	s6 =	sadd.s32 $0xC0, s9;
	s11 =	sadd.s32 $0x100, s9  }
0xf: {  	s4 =	sadd.s32 s26, s4;
	[dreg:$0x7] =	wrdreg s13;
	s15 =	sadd.s32 s2, s6  }
0x10: {  	s12 =	sadd.s32 s2, s11;
	s13 =	sadd.s32 $0x140, s9;
	s7 =	sshll.u32 s6, $0x7  }
0x11: {  	s11 =	sshll.u32 s11, $0x7;
	[dreg:$0x6] =	wrdreg s4;
	s4 =	sshll.u32 s14, $0x4  }
0x12: {  	s12 =	sshll.u32 s12, $0x4;
	s17 =	sadd.s32 s2, s13;
	s14 =	rddreg [dreg:$0x3]  }
0x13: {  	s4 =	sadd.s32 s26, s4;
	s16 =	sadd.s32 s26, s12;
	s18 =	sadd.s32 s25, s14  }
0x14: {  	s10 =	sadd.s32 s7, s14;
	[dreg:$0x8] =	wrdreg s4;
	s4 =	sshll.u32 s15, $0x4  }
0x15: {  	[dreg:$0xa] =	wrdreg s16;
	s15 =	sadd.s32 $0x180, s9;
	s16 =	sadd.s32 $0x1C0, s9  }
0x16: {  	s6 =	sadd.s32 $0xE000, s18;
	s7 =	sadd.s32 $0x10000, s18;
	s4 =	sadd.s32 s26, s4  }
0x17: {  	s19 =	sadd.s32 s2, s15;
	s20 =	sadd.s32 s2, s16;
	[dreg:$0x9] =	wrdreg s4  }
0x18: {  	s4 =	sshll.u32 s17, $0x4;
	s12 =	sshll.u32 s20, $0x4;
	s17 =	sadd.s32 $0x200, s9  }
0x19: {  	s9 =	sadd.s32 $0x240, s9;
	s20 =	sshll.u32 s15, $0x7;
	s15 =	simm.s32 $0x14000  }
0x1a: {  	s4 =	sadd.s32 s26, s4;
	s21 =	sadd.s32 s26, s12;
	s22 =	sadd.s32 s2, s17  }
0x1b: {  	s12 =	rddreg [dreg:$0x0];
	s2 =	sadd.s32 s2, s9;
	s25 =	sadd.s32 s20, s14  }
0x1c: {  	s23 =	sshll.u32 s9, $0x7;
	s9 =	simm.s32 $0x16100;
	[dreg:$0xb] =	wrdreg s4  }
0x1d: {  	s20 =	simm.s32 $0x0;
	s4 =	sshll.u32 s19, $0x4;
	[dreg:$0xd] =	wrdreg s21  }
0x1e: {  	s2 =	sshll.u32 s2, $0x4;
	s19 =	sshll.u32 s13, $0x7;
	s21 =	sshll.u32 s16, $0x7  }
0x1f: {  	s29 =	sadd.s32 s23, s14;
	s13 =	simm.s32 $0x18100;
	s4 =	sadd.s32 s26, s4  }
0x20: {  	s16 =	simm.s32 $0x14080;
	s2 =	sadd.s32 s26, s2;
	[dreg:$0xc] =	wrdreg s4  }
0x21: {  	s23 =	simm.s32 $0x400;
	s4 =	sshll.u32 s22, $0x4;
	[dreg:$0xf] =	wrdreg s2  }
0x22: {  	s2 =	sadd.s32 s24, s0;
	s24 =	sadd.s32 s19, s14;
	s22 =	sshll.u32 s17, $0x7  }
0x23: {  	s17 =	simm.s32 $0x40;
	s19 =	simm.s32 $0x14100;
	s4 =	sadd.s32 s26, s4  }
0x24: {  	s26 =	sadd.s32 $0x16600, s0;
	s0 =	sadd.s32 $0x16A00, s0;
	[dreg:$0xe] =	wrdreg s4  }
0x25: {  	s28 =	sadd.s32 s22, s14;
	_ =	strace $0x80000047;
	[dreg:$0x10] =	wrdreg s26  }
0x26: {  	s30 =	sadd.s32 $0x2A00, s2;
	s31 =	sadd.s32 $0xC800, s2;
	[dreg:$0x11] =	wrdreg s0  }
0x27: {  	s4 =	sshll.u32 s8, $0x7;
	s8 =	sadd.s32 s5, s14;
	[dreg:$0x12] =	wrdreg s3  }
0x28: {  	s2 =	sadd.s32 $0x6000, s18;
	s5 =	sadd.s32 $0xC000, s18;
	[dreg:$0x14] =	wrdreg s8  }
0x29: {  	s0 =	sadd.s32 s4, s14;
	[dreg:$0x15] =	wrdreg s10;
	s26 =	sadd.s32 s21, s14  }
0x2a: {  	s3 =	sadd.s32 $0x8000, s18;
	s4 =	sadd.s32 $0xA000, s18;
	s8 =	sadd.s32 $0x12000, s18  }
0x2b: {  	s10 =	simm.s32 $0x1;
	[dreg:$0x13] =	wrdreg s0;
	s0 =	sadd.s32 s11, s14  }
0x2c: {  	v0 =	vimm.f32 $1.000000000e+00;
	s11 =	sadd.s32 $0x2000, s18;
	[dreg:$0x16] =	wrdreg s0;
	s0 =	sadd.s32 $0x4000, s18  }
.LBB2_1:
0x2d: {  	s21 =	rddreg [dreg:$0x10]  }
0x2e: {  	[tilespmem:s9], [sflag:$0x1] =	stream.linear.gather [hbm4b:s21+s1], $0x2000, $0x38;
	[tilespmem:$0x1A900] =	vst v63  }
0x2f: {  	_ =	swait.ge [sflag:s10], $0x2000  }
0x30: {  	[sflag:s10] =	ssyncset.done $0x0  }
0x31: {  	s22 =	rddreg [dreg:$0x11];
	[sflag:s10] =	ssyncadd.s32 $0xFFFFE000  }
0x32: {  	[tilespmem:s13], [sflag:$0x1] =	stream.linear.gather [hbm4b:s22+s1], $0x2800, $0x38;
	[tilespmem:$0x1A900] =	vst v63  }
0x33: {  	_ =	swait.ge [sflag:s10], $0x2800  }
0x34: {  	[sflag:s10] =	ssyncset.done $0x0  }
0x35: {  	[sflag:s10] =	ssyncadd.s32 $0xFFFFD800  }
0x36: {  	[spmem:s18] =	stream.linear.scatter [tilespmem:s9], [sflag:$0x1], $0x2000, $0x38;
	[tilespmem:$0x1A900] =	vst v63  }
0x37: {  	_ =	swait.ge [sflag:s10], $0x2000  }
0x38: {  	[sflag:s10] =	ssyncset.done $0x0  }
0x39: {  	[sflag:s10] =	ssyncadd.s32 $0xFFFFE000  }
0x3a: {  	[spmem:s11] =	stream.linear.scatter [tilespmem:s9], [sflag:$0x1], $0x2000, $0x38;
	[tilespmem:$0x1A900] =	vst v63  }
0x3b: {  	_ =	swait.ge [sflag:s10], $0x2000  }
0x3c: {  	[sflag:s10] =	ssyncset.done $0x0  }
0x3d: {  	[sflag:s10] =	ssyncadd.s32 $0xFFFFE000  }
0x3e: {  	[spmem:s0] =	stream.linear.scatter [tilespmem:s9], [sflag:$0x1], $0x2000, $0x38;
	[tilespmem:$0x1A900] =	vst v63  }
0x3f: {  	_ =	swait.ge [sflag:s10], $0x2000  }
0x40: {  	[sflag:s10] =	ssyncset.done $0x0  }
0x41: {  	[sflag:s10] =	ssyncadd.s32 $0xFFFFE000  }
0x42: {  	[spmem:s2] =	stream.linear.scatter [tilespmem:s9], [sflag:$0x1], $0x2000, $0x38;
	[tilespmem:$0x1A900] =	vst v63  }
0x43: {  	_ =	swait.ge [sflag:s10], $0x2000  }
0x44: {  	[sflag:s10] =	ssyncset.done $0x0  }
0x45: {  	[sflag:s10] =	ssyncadd.s32 $0xFFFFE000  }
0x46: {  	[spmem:s3] =	stream.linear.scatter [tilespmem:s9], [sflag:$0x1], $0x2000, $0x38;
	[tilespmem:$0x1A900] =	vst v63  }
0x47: {  	_ =	swait.ge [sflag:s10], $0x2000  }
0x48: {  	[sflag:s10] =	ssyncset.done $0x0  }
0x49: {  	[sflag:s10] =	ssyncadd.s32 $0xFFFFE000  }
0x4a: {  	[spmem:s4] =	stream.linear.scatter [tilespmem:s9], [sflag:$0x1], $0x2000, $0x38;
	[tilespmem:$0x1A900] =	vst v63  }
0x4b: {  	_ =	swait.ge [sflag:s10], $0x2000  }
0x4c: {  	[sflag:s10] =	ssyncset.done $0x0  }
0x4d: {  	[sflag:s10] =	ssyncadd.s32 $0xFFFFE000  }
0x4e: {  	[spmem:s5] =	stream.linear.scatter [tilespmem:s9], [sflag:$0x1], $0x2000, $0x38;
	[tilespmem:$0x1A900] =	vst v63  }
0x4f: {  	_ =	swait.ge [sflag:s10], $0x2000  }
0x50: {  	[sflag:s10] =	ssyncset.done $0x0  }
0x51: {  	[sflag:s10] =	ssyncadd.s32 $0xFFFFE000  }
0x52: {  	[spmem:s6] =	stream.linear.scatter [tilespmem:s9], [sflag:$0x1], $0x2000, $0x38;
	[tilespmem:$0x1A900] =	vst v63  }
0x53: {  	_ =	swait.ge [sflag:s10], $0x2000  }
0x54: {  	[sflag:s10] =	ssyncset.done $0x0  }
0x55: {  	[sflag:s10] =	ssyncadd.s32 $0xFFFFE000  }
0x56: {  	[spmem:s7] =	stream.linear.scatter [tilespmem:s9], [sflag:$0x1], $0x2000, $0x38;
	[tilespmem:$0x1A900] =	vst v63  }
0x57: {  	_ =	swait.ge [sflag:s10], $0x2000  }
0x58: {  	[sflag:s10] =	ssyncset.done $0x0  }
0x59: {  	[sflag:s10] =	ssyncadd.s32 $0xFFFFE000  }
0x5a: {  	[spmem:s8] =	stream.linear.scatter [tilespmem:s9], [sflag:$0x1], $0x2000, $0x38;
	[tilespmem:$0x1A900] =	vst v63  }
0x5b: {  	_ =	swait.ge [sflag:s10], $0x2000  }
0x5c: {  	[sflag:s10] =	ssyncset.done $0x0  }
0x5d: {  	[sflag:s10] =	ssyncadd.s32 $0xFFFFE000  }
0x5e: {  	s21 =	simm.s32 $0x0;
	[bflag:$0x0] =	sbarrier.arrive $0xFFFF  }
.LBB2_2:
0x5f: {  	s22 =	sadd.s32 s21, s31  }
0x60: {  	[tilespmem:s15], [sflag:$0x1] =	stream.linear.gather [hbm4b:s22+s1], $0x40, $0x38;
	[tilespmem:$0x1A900] =	vst v63  }
0x61: {  	_ =	swait.ge [sflag:s10], $0x40  }
0x62: {  	[sflag:s10] =	ssyncset.done $0x0  }
0x63: {  	s22 =	sadd.s32 s21, s30;
	[sflag:s10] =	ssyncadd.s32 $0xFFFFFFC0  }
0x64: {  	[tilespmem:s16], [sflag:$0x1] =	stream.linear.gather [hbm4b:s22+s1], $0x40, $0x38;
	[tilespmem:$0x1A900] =	vst v63  }
0x65: {  	_ =	swait.ge [sflag:s10], $0x40  }
0x66: {  	[sflag:s10] =	ssyncset.done $0x0  }
0x67: {  	[sflag:s10] =	ssyncadd.s32 $0xFFFFFFC0  }
0x68: {  	[tilespmem:s19], [sflag:$0x1] =	stream.indirect.gather [hbm4b:s12+s17], $0x80, s15, s17, $0xb8;
	[tilespmem:$0x1A900] =	vst v63  }
0x69: {  	_ =	swait.ge [sflag:s10], $0x2000  }
0x6a: {  	[sflag:s10] =	ssyncset.done $0x0  }
0x6b: {  	[sflag:s10] =	ssyncadd.s32 $0xFFFFE000  }
0x6c: {  	[spmem:s14] =	stream.indirect.scatter.add.f32 [tilespmem:s19], [sflag:$0x1], $0x80, s16, s17, $0xb8;
	[tilespmem:$0x1A900] =	vst v63  }
0x6d: {  	_ =	swait.ge [sflag:s10], $0x2000  }
0x6e: {  	[sflag:s10] =	ssyncset.done $0x0  }
0x6f: {  	[sflag:s10] =	ssyncadd.s32 $0xFFFFE000  }
0x70: {  	v1 =	vld [tilespmem:$0x14080];
	_ =	sdelay $0x7  }
0x71: {  	[tilespmem:v1+s13+$0x0] =	vst.idx.add.f32.msk $0xffff, v0  }
0x72: {  	v1 =	vld [tilespmem:$0x14090];
	_ =	sdelay $0x7  }
0x73: {  	[tilespmem:v1+s13+$0x0] =	vst.idx.add.f32.msk $0xffff, v0  }
0x74: {  	v1 =	vld [tilespmem:$0x140A0];
	_ =	sdelay $0x7  }
0x75: {  	[tilespmem:v1+s13+$0x0] =	vst.idx.add.f32.msk $0xffff, v0  }
0x76: {  	v1 =	vld [tilespmem:$0x140B0];
	_ =	sdelay $0x2  }
0x77: {  	p0 =	sne.s32 s21, $0x4E0  }
.Ltmp0:
0x78: {  	_ = 	snop;
	(pc) =	sbr.rel @p0 .LBB2_2-.Ltmp0, $2  }
0x79: {  	_ =	sdelay $0x2  }
0x7a: {  	s21 =	sadd.s32 $0x8, s21;
	[tilespmem:v1+s13+$0x0] =	vst.idx.add.f32.msk $0xffff, v0  }
0x7b: {  	[bflag:$0x0] =	sbarrier.arrive $0xFFFF  }
0x7c: {  	[tilespmem:s9], [sflag:$0x1] =	stream.linear.gather [spmem:s18], $0x2000, $0x38;
	[tilespmem:$0x1A900] =	vst v63  }
0x7d: {  	_ =	swait.ge [sflag:s10], $0x2000  }
0x7e: {  	[sflag:s10] =	ssyncset.done $0x0  }
0x7f: {  	s21 =	rddreg [dreg:$0x6];
	[sflag:s10] =	ssyncadd.s32 $0xFFFFE000  }
0x80: {  	[hbm4b:s21+s1] =	stream.linear.scatter [tilespmem:s9], [sflag:$0x1], $0x2000, $0x38;
	[tilespmem:$0x1A900] =	vst v63  }
0x81: {  	_ =	swait.ge [sflag:s10], $0x2000  }
0x82: {  	[sflag:s10] =	ssyncset.done $0x0  }
0x83: {  	s22 =	rddreg [dreg:$0x13];
	[sflag:s10] =	ssyncadd.s32 $0xFFFFE000  }
0x84: {  	[tilespmem:s9], [sflag:$0x1] =	stream.linear.gather [spmem:s22], $0x2000, $0x38;
	[tilespmem:$0x1A900] =	vst v63  }
0x85: {  	_ =	swait.ge [sflag:s10], $0x2000  }
0x86: {  	[sflag:s10] =	ssyncset.done $0x0  }
0x87: {  	s22 =	rddreg [dreg:$0x7];
	[sflag:s10] =	ssyncadd.s32 $0xFFFFE000  }
0x88: {  	[hbm4b:s22+s1] =	stream.linear.scatter [tilespmem:s9], [sflag:$0x1], $0x2000, $0x38;
	[tilespmem:$0x1A900] =	vst v63  }
0x89: {  	_ =	swait.ge [sflag:s10], $0x2000  }
0x8a: {  	[sflag:s10] =	ssyncset.done $0x0  }
0x8b: {  	s22 =	rddreg [dreg:$0x14];
	[sflag:s10] =	ssyncadd.s32 $0xFFFFE000  }
0x8c: {  	[tilespmem:s9], [sflag:$0x1] =	stream.linear.gather [spmem:s22], $0x2000, $0x38;
	[tilespmem:$0x1A900] =	vst v63  }
0x8d: {  	_ =	swait.ge [sflag:s10], $0x2000  }
0x8e: {  	[sflag:s10] =	ssyncset.done $0x0  }
0x8f: {  	s22 =	rddreg [dreg:$0x8];
	[sflag:s10] =	ssyncadd.s32 $0xFFFFE000  }
0x90: {  	[hbm4b:s22+s1] =	stream.linear.scatter [tilespmem:s9], [sflag:$0x1], $0x2000, $0x38;
	[tilespmem:$0x1A900] =	vst v63  }
0x91: {  	_ =	swait.ge [sflag:s10], $0x2000  }
0x92: {  	[sflag:s10] =	ssyncset.done $0x0  }
0x93: {  	s22 =	rddreg [dreg:$0x15];
	[sflag:s10] =	ssyncadd.s32 $0xFFFFE000  }
0x94: {  	[tilespmem:s9], [sflag:$0x1] =	stream.linear.gather [spmem:s22], $0x2000, $0x38;
	[tilespmem:$0x1A900] =	vst v63  }
0x95: {  	_ =	swait.ge [sflag:s10], $0x2000  }
0x96: {  	[sflag:s10] =	ssyncset.done $0x0  }
0x97: {  	s22 =	rddreg [dreg:$0x9];
	[sflag:s10] =	ssyncadd.s32 $0xFFFFE000  }
0x98: {  	[hbm4b:s22+s1] =	stream.linear.scatter [tilespmem:s9], [sflag:$0x1], $0x2000, $0x38;
	[tilespmem:$0x1A900] =	vst v63  }
0x99: {  	_ =	swait.ge [sflag:s10], $0x2000  }
0x9a: {  	[sflag:s10] =	ssyncset.done $0x0  }
0x9b: {  	s22 =	rddreg [dreg:$0x16];
	[sflag:s10] =	ssyncadd.s32 $0xFFFFE000  }
0x9c: {  	[tilespmem:s9], [sflag:$0x1] =	stream.linear.gather [spmem:s22], $0x2000, $0x38;
	[tilespmem:$0x1A900] =	vst v63  }
0x9d: {  	_ =	swait.ge [sflag:s10], $0x2000  }
0x9e: {  	[sflag:s10] =	ssyncset.done $0x0  }
0x9f: {  	s22 =	rddreg [dreg:$0xa];
	[sflag:s10] =	ssyncadd.s32 $0xFFFFE000  }
0xa0: {  	[hbm4b:s22+s1] =	stream.linear.scatter [tilespmem:s9], [sflag:$0x1], $0x2000, $0x38;
	[tilespmem:$0x1A900] =	vst v63  }
0xa1: {  	_ =	swait.ge [sflag:s10], $0x2000  }
0xa2: {  	[sflag:s10] =	ssyncset.done $0x0  }
0xa3: {  	[sflag:s10] =	ssyncadd.s32 $0xFFFFE000  }
0xa4: {  	[tilespmem:s9], [sflag:$0x1] =	stream.linear.gather [spmem:s24], $0x2000, $0x38;
	[tilespmem:$0x1A900] =	vst v63  }
0xa5: {  	_ =	swait.ge [sflag:s10], $0x2000  }
0xa6: {  	[sflag:s10] =	ssyncset.done $0x0  }
0xa7: {  	s22 =	rddreg [dreg:$0xb];
	[sflag:s10] =	ssyncadd.s32 $0xFFFFE000  }
0xa8: {  	[hbm4b:s22+s1] =	stream.linear.scatter [tilespmem:s9], [sflag:$0x1], $0x2000, $0x38;
	[tilespmem:$0x1A900] =	vst v63  }
0xa9: {  	_ =	swait.ge [sflag:s10], $0x2000  }
0xaa: {  	[sflag:s10] =	ssyncset.done $0x0  }
0xab: {  	[sflag:s10] =	ssyncadd.s32 $0xFFFFE000  }
0xac: {  	[tilespmem:s9], [sflag:$0x1] =	stream.linear.gather [spmem:s25], $0x2000, $0x38;
	[tilespmem:$0x1A900] =	vst v63  }
0xad: {  	_ =	swait.ge [sflag:s10], $0x2000  }
0xae: {  	[sflag:s10] =	ssyncset.done $0x0  }
0xaf: {  	s22 =	rddreg [dreg:$0xc];
	[sflag:s10] =	ssyncadd.s32 $0xFFFFE000  }
0xb0: {  	[hbm4b:s22+s1] =	stream.linear.scatter [tilespmem:s9], [sflag:$0x1], $0x2000, $0x38;
	[tilespmem:$0x1A900] =	vst v63  }
0xb1: {  	_ =	swait.ge [sflag:s10], $0x2000  }
0xb2: {  	[sflag:s10] =	ssyncset.done $0x0  }
0xb3: {  	[sflag:s10] =	ssyncadd.s32 $0xFFFFE000  }
0xb4: {  	[tilespmem:s9], [sflag:$0x1] =	stream.linear.gather [spmem:s26], $0x2000, $0x38;
	[tilespmem:$0x1A900] =	vst v63  }
0xb5: {  	_ =	swait.ge [sflag:s10], $0x2000  }
0xb6: {  	[sflag:s10] =	ssyncset.done $0x0  }
0xb7: {  	s22 =	rddreg [dreg:$0xd];
	[sflag:s10] =	ssyncadd.s32 $0xFFFFE000  }
0xb8: {  	[hbm4b:s22+s1] =	stream.linear.scatter [tilespmem:s9], [sflag:$0x1], $0x2000, $0x38;
	[tilespmem:$0x1A900] =	vst v63  }
0xb9: {  	_ =	swait.ge [sflag:s10], $0x2000  }
0xba: {  	[sflag:s10] =	ssyncset.done $0x0  }
0xbb: {  	[sflag:s10] =	ssyncadd.s32 $0xFFFFE000  }
0xbc: {  	[tilespmem:s9], [sflag:$0x1] =	stream.linear.gather [spmem:s28], $0x2000, $0x38;
	[tilespmem:$0x1A900] =	vst v63  }
0xbd: {  	_ =	swait.ge [sflag:s10], $0x2000  }
0xbe: {  	[sflag:s10] =	ssyncset.done $0x0  }
0xbf: {  	s22 =	rddreg [dreg:$0xe];
	[sflag:s10] =	ssyncadd.s32 $0xFFFFE000  }
0xc0: {  	[hbm4b:s22+s1] =	stream.linear.scatter [tilespmem:s9], [sflag:$0x1], $0x2000, $0x38;
	[tilespmem:$0x1A900] =	vst v63  }
0xc1: {  	_ =	swait.ge [sflag:s10], $0x2000  }
0xc2: {  	[sflag:s10] =	ssyncset.done $0x0  }
0xc3: {  	[sflag:s10] =	ssyncadd.s32 $0xFFFFE000  }
0xc4: {  	[tilespmem:s9], [sflag:$0x1] =	stream.linear.gather [spmem:s29], $0x2000, $0x38;
	[tilespmem:$0x1A900] =	vst v63  }
0xc5: {  	_ =	swait.ge [sflag:s10], $0x2000  }
0xc6: {  	[sflag:s10] =	ssyncset.done $0x0  }
0xc7: {  	s22 =	rddreg [dreg:$0xf];
	[sflag:s10] =	ssyncadd.s32 $0xFFFFE000  }
0xc8: {  	[hbm4b:s22+s1] =	stream.linear.scatter [tilespmem:s9], [sflag:$0x1], $0x2000, $0x38;
	[tilespmem:$0x1A900] =	vst v63  }
0xc9: {  	_ =	swait.ge [sflag:s10], $0x2000  }
0xca: {  	[sflag:s10] =	ssyncset.done $0x0  }
0xcb: {  	s22 =	simm.s32 $0x80;
	s21 =	rddreg [dreg:$0x5];
	[sflag:s10] =	ssyncadd.s32 $0xFFFFE000  }
0xcc: {  	[hbm4b:s21+s22] =	stream.strided.scatter [tilespmem:s13], [sflag:$0x1], $0x2800, s23, s22, $0x38;
	[tilespmem:$0x1A900] =	vst v63  }
0xcd: {  	_ =	swait.ge [sflag:s10], $0x2800  }
0xce: {  	s20 =	sadd.s32 $0x1, s20;
	s22 =	rddreg [dreg:$0x12]  }
0xcf: {  	p0 =	sne.s32 s20, s22  }
.Ltmp1:
0xd0: {  	_ = 	snop;
	(pc) =	sbr.rel @p0 .LBB2_1-.Ltmp1, $3  }
0xd1: {  	_ =	sdelay $0x1  }
0xd2: {  	[sflag:s10] =	ssyncset.done $0x0  }
0xd3: {  	[sflag:s10] =	ssyncadd.s32 $0xFFFFD800  }
0xd4: {  	_ =	sfence.sel $0x180000  }
0xd5: {  	[bflag:$0x0] =	sbarrier.arrive $0xFFFF  }
0xd6: {  	_ =	strace $0x90000047  }
0xd7: {  	s0 =	stileid.u32;
	[bflag:$0x2] =	sbarrier.arrive $0xFFFF  }
0xd8: {  	p0 =	sne.s32 s0, $0x0;
	s0 =	rddreg [dreg:$0x4]  }
0xd9: {  	s0 =	sadd.s32 @!p0 $0x100000, s0  }
0xda: {  	[sflag:s0] =	ssyncadd.tile.s32 @!p0 $0x1;
	_ =	shalt  }
.Lfunc_end2:
_tile_overlayer_lowered:
.L_overlay_start_2:
0xdb: {  	(tag) =	ssettag $0x2  }
0xdc: {  	s0 =	rddreg [dreg:$0x0];
	s2 =	stileid.u32  }
0xdd: {  	s1 =	rddreg [dreg:$0x1];
	p0 =	sne.s32 s2, $0x0  }
0xde: {  	s3 =	rddreg [dreg:$0x2];
	[bflag:$0x3] =	sbarrier.arrive $0xFFFF;
	s2 =	simm.s32 @!p0 $0x1C01  }
0xdf: {  	[timem:s3], [sflag:s2] =	dma.local @!p0 [hbm:s0], s1  }
0xe0: {  	s0 =	simm.s32 @!p0 $0x1  }
0xe1: {  	_ =	swait.ge @!p0 [sflag:s0], s1  }
0xe2: {  	s1 =	ssub.s32 @!p0 $0x0, s1;
	[sflag:s0] =	ssyncset.done @!p0 $0x0  }
0xe3: {  	[sflag:s0] =	ssyncadd.s32 @!p0 s1  }
0xe4: {  	[bflag:$0x3] =	sbarrier.arrive $0xFFFF  }
0xe5: {  	_ =	shalt  }

</sc_bundles>
